<compile_context>
chip_gen: v7x
topology: tpu7x:2x2x1
jax: 0.10.2.dev20260603
libtpu: 0.0.44.dev20260713+nightly
codegen_flags: <defaults>
</compile_context>

<pallas_src>
import jax
import jax.numpy as jnp
from jax import lax
from jax.experimental import pallas as pl
from jax.experimental.pallas import tpu as pltpu
from jax.experimental.pallas import tpu_sc as plsc

V, T, N, K = 16, 4096, 1024, 16
LANES = 16
NWORKERS = 32
QPW = V * N // NWORKERS
CHUNKS = QPW // LANES
PAD = 128
PTOT = PAD + T + 128


def _tec_body(q_hbm, a_hbm, len_hbm, out_hbm, q_v, p_v, len_v, out_v):
    c = lax.axis_index("c")
    s = lax.axis_index("s")
    wid = s * 2 + c
    vid = wid // 2
    half = wid % 2
    q0 = half * QPW

    pltpu.sync_copy(a_hbm.at[vid], p_v.at[pl.ds(PAD, T)])
    pltpu.sync_copy(q_hbm.at[vid, pl.ds(q0, QPW)], q_v)
    pltpu.sync_copy(len_hbm, len_v)

    lane = lax.iota(jnp.int32, LANES)
    l_vec = plsc.load_gather(len_v, [jnp.full((LANES,), vid, jnp.int32)])

    neg = jnp.full((LANES,), -1.0e9, jnp.float32)
    post = jnp.full((LANES,), 1.0e9, jnp.float32)
    p_v[pl.ds(PAD - LANES, LANES)] = neg
    plsc.store_scatter(p_v, [PAD + l_vec + lane], post)
    plsc.store_scatter(p_v, [PAD + l_vec + LANES + lane], post)

    pos_cap = l_vec + PAD

    ILP = 1

    def chunk(i, carry):
        qidx = [i * (LANES * ILP) + j * LANES + lane for j in range(ILP)]
        q = [plsc.load_gather(q_v, [qidx[j]]) for j in range(ILP)]
        qq = [q[j] * q[j] for j in range(ILP)]
        q2 = [q[j] + q[j] for j in range(ILP)]

        def dist(j, a):
            return (qq[j] + a * a) - q2[j] * a

        pos = [jnp.full((LANES,), PAD, jnp.int32) for _ in range(ILP)]
        b = T // 2
        while b >= 1:
            for j in range(ILP):
                av = plsc.load_gather(p_v, [pos[j] + (b - 1)])
                pos[j] = jnp.where(av < q[j], pos[j] + b, pos[j])
            b //= 2
        pos = [jnp.minimum(p, pos_cap) for p in pos]

        lp = [p - 1 for p in pos]
        rp = list(pos)
        dl = [dist(j, plsc.load_gather(p_v, [lp[j]])) for j in range(ILP)]
        dr = [dist(j, plsc.load_gather(p_v, [rp[j]])) for j in range(ILP)]
        for st in range(K):
            for j in range(ILP):
                tl = dl[j] <= dr[j]
                sel = jnp.where(tl, lp[j], rp[j])
                plsc.store_scatter(
                    out_v, [qidx[j], jnp.full((LANES,), st, jnp.int32)],
                    sel - PAD)
                if st == K - 1:
                    continue
                adv = jnp.where(tl, sel - 1, sel + 1)
                lp[j] = jnp.where(tl, adv, lp[j])
                rp[j] = jnp.where(tl, rp[j], adv)
                nd = dist(j, plsc.load_gather(p_v, [adv]))
                dl[j] = jnp.where(tl, nd, dl[j])
                dr[j] = jnp.where(tl, dr[j], nd)
        return carry

    plsc.parallel_loop(0, CHUNKS // ILP, unroll=8, carry=jnp.int32(0))(
        lambda i, c: chunk(i, c))
    pltpu.sync_copy(out_v, out_hbm.at[vid, pl.ds(q0, QPW)])


def kernel(query_t, vid_timestamps, time_masks, k):
    q = query_t[..., 0]
    a = vid_timestamps[..., 0]
    lengths = jnp.sum(time_masks[:, :, 0], axis=1, dtype=jnp.int32)

    mesh = plsc.VectorSubcoreMesh(core_axis_name="c", subcore_axis_name="s")
    fn = pl.kernel(
        _tec_body,
        out_type=jax.ShapeDtypeStruct((V, N, K), jnp.int32),
        mesh=mesh,
        compiler_params=pltpu.CompilerParams(needs_layout_passes=False),
        scratch_types=[
            pltpu.VMEM((QPW,), jnp.float32),
            pltpu.VMEM((PTOT,), jnp.float32),
            pltpu.VMEM((V,), jnp.int32),
            pltpu.VMEM((QPW, K), jnp.int32),
        ],
    )
    return fn(q, a, lengths)

# --- scband reference (transcript-rebuilt; emitter-appended) ---
"""Pipeline reference for scband-nnutil-masked-gpvae-70489003262415 (READ-ONLY COPY).

The authoritative reference and input builder live on the scoring server;
editing this copy changes nothing except your own understanding.
"""

import jax, jax.numpy as jnp
import numpy as np


def setup_inputs(seed: int = 0) -> dict:
    key = jax.random.key(seed)
    k1, k2, k3 = jax.random.split(key, 3)
    v, T, n, D = 16, 4096, 1024, 1
    # per-video observed lengths (observations moved to the left)
    lengths = jax.random.randint(k3, (v,), T // 2, T + 1)
    time_masks = (jnp.arange(T)[None, :] < lengths[:, None])[..., None]  # [v, T, 1] bool
    # anchored, sorted timestamps per video
    vid_timestamps = jnp.sort(jax.random.uniform(k1, (v, T, D), dtype=jnp.float32) * T, axis=1)
    query_t = jax.random.uniform(k2, (v, n, D), dtype=jnp.float32) * T
    return {"query_t": query_t, "vid_timestamps": vid_timestamps, "time_masks": time_masks, "k": 16}


def reference(query_t, vid_timestamps, time_masks, k):
    # Equivalent of set_nn_idx(faiss_reset=True) followed by find_nn_idx(query_t):
    # for each video i, search query_t[i] against the MASKED (observed) anchors of video i
    # using exact L2 (IndexFlatL2) and return the k nearest indices [v, n, k].
    # Since observations are moved to the left, masked-anchor indices coincide with
    # original frame positions.
    qn = jnp.sum(query_t ** 2, axis=-1)[:, :, None]              # [v, n, 1]
    an = jnp.sum(vid_timestamps ** 2, axis=-1)[:, None, :]       # [v, 1, T]
    cross = jnp.einsum('vnd,vtd->vnt', query_t, vid_timestamps)  # [v, n, T]
    dist = qn + an - 2.0 * cross                                  # squared L2, [v, n, T]
    mask = time_masks[:, :, 0][:, None, :]                        # [v, 1, T]
    dist = jnp.where(mask, dist, jnp.inf)                         # exclude unobserved frames
    k_static = 16
    neg_vals, nn_idx = jax.lax.top_k(-dist, k_static)             # k smallest distances
    nn_idx = nn_idx + (k - k)
    return nn_idx  # int [v, n, k]

if __name__ == "__main__":
    import jax
    _d = setup_inputs()
    print(jax.jit(kernel)(*tuple(_d.values())))

</pallas_src>

<mosaic_0001>
#map = affine_map<(d0, d1) -> (0, 0)>
#map1 = affine_map<(d0, d1) -> (0)>
#map2 = affine_map<(d0, d1) -> (0, 0, 0)>
module attributes {stable_mosaic.version = 14 : i64} {
  func.func @_tec_body(%arg0: i32, %arg1: i32, %arg2: memref<16x1024xf32, #tpu.memory_space<hbm>>, %arg3: memref<16x4096xf32, #tpu.memory_space<hbm>>, %arg4: memref<16xi32, #tpu.memory_space<hbm>>, %arg5: memref<16x1024x16xi32, #tpu.memory_space<hbm>>, %arg6: memref<512xf32, #tpu.memory_space<vmem>>, %arg7: memref<4352xf32, #tpu.memory_space<vmem>>, %arg8: memref<16xi32, #tpu.memory_space<vmem>>, %arg9: memref<512x16xi32, #tpu.memory_space<vmem>>) attributes {dimension_semantics = [#tpu.dimension_semantics<core_parallel>, #tpu.dimension_semantics<subcore_parallel>], iteration_bounds = array<i64: 2, 16>, scalar_prefetch = 0 : i64, scratch_operands = 4 : i64, tpu.core_type = #tpu.core_type<sc_vector_subcore>, window_params = [{transform_indices = #map}, {transform_indices = #map}, {transform_indices = #map1}, {transform_indices = #map2}]} {
    %mul3A = arith.constant 2 : i32
    %mul3A_0 = arith.muli %arg1, %mul3A : i32
    %add3A = arith.addi %mul3A_0, %arg0 : i32
    %jit3A = arith.constant 2 : i32
    %div3A = arith.divsi %add3A, %jit3A : i32
    %sign3A = arith.constant 0 : i32
    %sign3A_1 = arith.cmpi sgt, %add3A, %sign3A : i32
    %sign3A_2 = arith.extui %sign3A_1 : i1 to i32
    %sign3A_3 = arith.constant 0 : i32
    %sign3A_4 = arith.cmpi slt, %add3A, %sign3A_3 : i32
    %sign3A_5 = arith.extui %sign3A_4 : i1 to i32
    %sign3A_6 = arith.subi %sign3A_2, %sign3A_5 : i32
    %sign3A_7 = arith.constant 0 : i32
    %sign3A_8 = arith.cmpi sgt, %jit3A, %sign3A_7 : i32
    %sign3A_9 = arith.extui %sign3A_8 : i1 to i32
    %sign3A_10 = arith.constant 0 : i32
    %sign3A_11 = arith.cmpi slt, %jit3A, %sign3A_10 : i32
    %sign3A_12 = arith.extui %sign3A_11 : i1 to i32
    %sign3A_13 = arith.subi %sign3A_9, %sign3A_12 : i32
    %ne3A = arith.cmpi ne, %sign3A_6, %sign3A_13 : i32
    %rem3A = arith.remsi %add3A, %jit3A : i32
    %ne3A_14 = arith.constant 0 : i32
    %ne3A_15 = arith.cmpi ne, %rem3A, %ne3A_14 : i32
    %and3A = arith.andi %ne3A, %ne3A_15 : i1
    %sub3A = arith.constant 1 : i32
    %sub3A_16 = arith.subi %div3A, %sub3A : i32
    %select_n3A = arith.select %and3A, %sub3A_16, %div3A : i32
    %jit3A_17 = arith.constant 2 : i32
    %eq3A = arith.constant 0 : i32
    %eq3A_18 = arith.cmpi eq, %jit3A_17, %eq3A : i32
    %jit3A_19 = arith.constant 1 : i32
    %select_n3A_20 = arith.select %eq3A_18, %jit3A_19, %jit3A_17 : i32
    %rem3A_21 = arith.remsi %add3A, %select_n3A_20 : i32
    %ne3A_22 = arith.constant 0 : i32
    %ne3A_23 = arith.cmpi ne, %rem3A_21, %ne3A_22 : i32
    %lt3A = arith.constant 0 : i32
    %lt3A_24 = arith.cmpi slt, %rem3A_21, %lt3A : i32
    %lt3A_25 = arith.constant 0 : i32
    %lt3A_26 = arith.cmpi slt, %select_n3A_20, %lt3A_25 : i32
    %ne3A_27 = arith.xori %lt3A_24, %lt3A_26 : i1
    %and3A_28 = arith.andi %ne3A_27, %ne3A_23 : i1
    %add3A_29 = arith.addi %rem3A_21, %select_n3A_20 : i32
    %select_n3A_30 = arith.select %and3A_28, %add3A_29, %rem3A_21 : i32
    %mul3A_31 = arith.constant 512 : i32
    %mul3A_32 = arith.muli %select_n3A_30, %mul3A_31 : i32
    "tpu.region"() ({
      %run_scoped3A = tpu.sem_alloc : memref<!tpu.dma_semaphore, #tpu.memory_space<semaphore_mem>>
      %dma_start3A = arith.constant 128 : i32
      %dma_start3A_56 = tpu.memref_slice %arg7[%dma_start3A] : memref<4352xf32, #tpu.memory_space<vmem>> -> memref<4096xf32, #tpu.memory_space<vmem>>
      %dma_start3A_57 = arith.constant 0 : i32
      %dma_start3A_58 = tpu.memref_slice %arg3[%select_n3A, %dma_start3A_57] : memref<16x4096xf32, #tpu.memory_space<hbm>> -> memref<1x4096xf32, #tpu.memory_space<hbm>>
      %dma_start3A_59 = tpu.memref_squeeze %dma_start3A_58 : memref<1x4096xf32, #tpu.memory_space<hbm>> -> memref<4096xf32, #tpu.memory_space<hbm>>
      %dma_start3A_60 = arith.constant 128 : i32
      %dma_start3A_61 = tpu.memref_slice %arg7[%dma_start3A_60] : memref<4352xf32, #tpu.memory_space<vmem>> -> memref<4096xf32, #tpu.memory_space<vmem>>
      %dma_start3A_62 = arith.constant 0 : i32
      %dma_start3A_63 = tpu.memref_slice %arg3[%select_n3A, %dma_start3A_62] : memref<16x4096xf32, #tpu.memory_space<hbm>> -> memref<1x4096xf32, #tpu.memory_space<hbm>>
      %dma_start3A_64 = tpu.memref_squeeze %dma_start3A_63 : memref<1x4096xf32, #tpu.memory_space<hbm>> -> memref<4096xf32, #tpu.memory_space<hbm>>
      tpu.enqueue_dma source(%dma_start3A_64 : memref<4096xf32, #tpu.memory_space<hbm>>) target(%dma_start3A_61 : memref<4096xf32, #tpu.memory_space<vmem>>) target_semaphore(%run_scoped3A : memref<!tpu.dma_semaphore, #tpu.memory_space<semaphore_mem>>)
      %dma_wait3A = arith.constant 128 : i32
      %dma_wait3A_65 = tpu.memref_slice %arg7[%dma_wait3A] : memref<4352xf32, #tpu.memory_space<vmem>> -> memref<4096xf32, #tpu.memory_space<vmem>>
      %dma_wait3A_66 = arith.constant 0 : i32
      %dma_wait3A_67 = tpu.memref_slice %arg3[%select_n3A, %dma_wait3A_66] : memref<16x4096xf32, #tpu.memory_space<hbm>> -> memref<1x4096xf32, #tpu.memory_space<hbm>>
      %dma_wait3A_68 = tpu.memref_squeeze %dma_wait3A_67 : memref<1x4096xf32, #tpu.memory_space<hbm>> -> memref<4096xf32, #tpu.memory_space<hbm>>
      %dma_wait3A_69 = arith.constant 128 : i32
      %dma_wait3A_70 = tpu.memref_slice %arg7[%dma_wait3A_69] : memref<4352xf32, #tpu.memory_space<vmem>> -> memref<4096xf32, #tpu.memory_space<vmem>>
      %dma_wait3A_71 = arith.constant 0 : i32
      %dma_wait3A_72 = tpu.memref_slice %arg3[%select_n3A, %dma_wait3A_71] : memref<16x4096xf32, #tpu.memory_space<hbm>> -> memref<1x4096xf32, #tpu.memory_space<hbm>>
      %dma_wait3A_73 = tpu.memref_squeeze %dma_wait3A_72 : memref<1x4096xf32, #tpu.memory_space<hbm>> -> memref<4096xf32, #tpu.memory_space<hbm>>
      tpu.wait_dma2 semaphore(%run_scoped3A : memref<!tpu.dma_semaphore, #tpu.memory_space<semaphore_mem>>) src(%dma_wait3A_73 : memref<4096xf32, #tpu.memory_space<hbm>>) dst(%dma_wait3A_70 : memref<4096xf32, #tpu.memory_space<vmem>>)
      tpu.yield
    }) : () -> ()
    "tpu.region"() ({
      %run_scoped3A = tpu.sem_alloc : memref<!tpu.dma_semaphore, #tpu.memory_space<semaphore_mem>>
      %dma_start3A = tpu.memref_slice %arg2[%select_n3A, %mul3A_32] : memref<16x1024xf32, #tpu.memory_space<hbm>> -> memref<1x512xf32, #tpu.memory_space<hbm>>
      %dma_start3A_56 = tpu.memref_squeeze %dma_start3A : memref<1x512xf32, #tpu.memory_space<hbm>> -> memref<512xf32, #tpu.memory_space<hbm>>
      %dma_start3A_57 = tpu.memref_slice %arg2[%select_n3A, %mul3A_32] : memref<16x1024xf32, #tpu.memory_space<hbm>> -> memref<1x512xf32, #tpu.memory_space<hbm>>
      %dma_start3A_58 = tpu.memref_squeeze %dma_start3A_57 : memref<1x512xf32, #tpu.memory_space<hbm>> -> memref<512xf32, #tpu.memory_space<hbm>>
      tpu.enqueue_dma source(%dma_start3A_58 : memref<512xf32, #tpu.memory_space<hbm>>) target(%arg6 : memref<512xf32, #tpu.memory_space<vmem>>) target_semaphore(%run_scoped3A : memref<!tpu.dma_semaphore, #tpu.memory_space<semaphore_mem>>)
      %dma_wait3A = tpu.memref_slice %arg2[%select_n3A, %mul3A_32] : memref<16x1024xf32, #tpu.memory_space<hbm>> -> memref<1x512xf32, #tpu.memory_space<hbm>>
      %dma_wait3A_59 = tpu.memref_squeeze %dma_wait3A : memref<1x512xf32, #tpu.memory_space<hbm>> -> memref<512xf32, #tpu.memory_space<hbm>>
      %dma_wait3A_60 = tpu.memref_slice %arg2[%select_n3A, %mul3A_32] : memref<16x1024xf32, #tpu.memory_space<hbm>> -> memref<1x512xf32, #tpu.memory_space<hbm>>
      %dma_wait3A_61 = tpu.memref_squeeze %dma_wait3A_60 : memref<1x512xf32, #tpu.memory_space<hbm>> -> memref<512xf32, #tpu.memory_space<hbm>>
      tpu.wait_dma2 semaphore(%run_scoped3A : memref<!tpu.dma_semaphore, #tpu.memory_space<semaphore_mem>>) src(%dma_wait3A_61 : memref<512xf32, #tpu.memory_space<hbm>>) dst(%arg6 : memref<512xf32, #tpu.memory_space<vmem>>)
      tpu.yield
    }) : () -> ()
    "tpu.region"() ({
      %run_scoped3A = tpu.sem_alloc : memref<!tpu.dma_semaphore, #tpu.memory_space<semaphore_mem>>
      tpu.enqueue_dma source(%arg4 : memref<16xi32, #tpu.memory_space<hbm>>) target(%arg8 : memref<16xi32, #tpu.memory_space<vmem>>) target_semaphore(%run_scoped3A : memref<!tpu.dma_semaphore, #tpu.memory_space<semaphore_mem>>)
      tpu.wait_dma2 semaphore(%run_scoped3A : memref<!tpu.dma_semaphore, #tpu.memory_space<semaphore_mem>>) src(%arg4 : memref<16xi32, #tpu.memory_space<hbm>>) dst(%arg8 : memref<16xi32, #tpu.memory_space<vmem>>)
      tpu.yield
    }) : () -> ()
    %iota3A = tpu.iota {dimensions = array<i32: 0>} : vector<16xi32>
    %broadcast_in_dim3A = vector.broadcast %select_n3A : i32 to vector<16xi32>
    %gather3A = tpu.vector_load_idx %arg8[%broadcast_in_dim3A] : memref<16xi32, #tpu.memory_space<vmem>>[vector<16xi32>], vector<16xi32>,
    %broadcast_in_dim3A_33 = arith.constant -1.000000e+09 : f32
    %broadcast_in_dim3A_34 = vector.broadcast %broadcast_in_dim3A_33 : f32 to vector<16xf32>
    %broadcast_in_dim3A_35 = arith.constant 1.000000e+09 : f32
    %broadcast_in_dim3A_36 = vector.broadcast %broadcast_in_dim3A_35 : f32 to vector<16xf32>
    %swap3A = arith.constant 112 : index
    %swap3A_37 = tpu.vector_load %arg7[%swap3A] {strides = array<i32>} : memref<4352xf32, #tpu.memory_space<vmem>>, vector<16xf32>,
    tpu.vector_store %arg7[%swap3A], %broadcast_in_dim3A_34 {strides = array<i32>} : memref<4352xf32, #tpu.memory_space<vmem>>, vector<16xf32>,
    %add3A_38 = arith.constant 128 : i32
    %add3A_39 = vector.broadcast %add3A_38 : i32 to vector<16xi32>
    %add3A_40 = arith.addi %add3A_39, %gather3A : vector<16xi32>
    %add3A_41 = arith.addi %add3A_40, %iota3A : vector<16xi32>
    tpu.vector_store_idx %arg7[%add3A_41], %broadcast_in_dim3A_36 : memref<4352xf32, #tpu.memory_space<vmem>>[vector<16xi32>], vector<16xf32>,
    %add3A_42 = arith.constant 128 : i32
    %add3A_43 = vector.broadcast %add3A_42 : i32 to vector<16xi32>
    %add3A_44 = arith.addi %add3A_43, %gather3A : vector<16xi32>
    %add3A_45 = arith.constant 16 : i32
    %add3A_46 = vector.broadcast %add3A_45 : i32 to vector<16xi32>
    %add3A_47 = arith.addi %add3A_44, %add3A_46 : vector<16xi32>
    %add3A_48 = arith.addi %add3A_47, %iota3A : vector<16xi32>
    tpu.vector_store_idx %arg7[%add3A_48], %broadcast_in_dim3A_36 : memref<4352xf32, #tpu.memory_space<vmem>>[vector<16xi32>], vector<16xf32>,
    %add3A_49 = arith.constant 128 : i32
    %add3A_50 = vector.broadcast %add3A_49 : i32 to vector<16xi32>
    %add3A_51 = arith.addi %gather3A, %add3A_50 : vector<16xi32>
    %parallel_loop3A = arith.constant 0 : i32
    %parallel_loop3A_52 = arith.constant 32 : i32
    %parallel_loop3A_53 = arith.constant 1 : i32
    %parallel_loop3A_54 = arith.constant 0 : i32
    %parallel_loop3A_55 = scf.for %parallel_loop3A_56 = %parallel_loop3A to %parallel_loop3A_52 step %parallel_loop3A_53 iter_args(%parallel_loop3A_57 = %parallel_loop3A_54) -> (i32)  : i32 {
      %parallel_loop3A_58 = arith.constant 16 : i32
      %parallel_loop3A_59 = arith.muli %parallel_loop3A_56, %parallel_loop3A_58 : i32
      %parallel_loop3A_60 = arith.constant 0 : i32
      %parallel_loop3A_61 = arith.addi %parallel_loop3A_59, %parallel_loop3A_60 : i32
      %parallel_loop3A_62 = vector.broadcast %parallel_loop3A_61 : i32 to vector<16xi32>
      %parallel_loop3A_63 = arith.addi %parallel_loop3A_62, %iota3A : vector<16xi32>
      %parallel_loop3A_64 = tpu.vector_load_idx %arg6[%parallel_loop3A_63] : memref<512xf32, #tpu.memory_space<vmem>>[vector<16xi32>], vector<16xf32>,
      %parallel_loop3A_65 = arith.mulf %parallel_loop3A_64, %parallel_loop3A_64 : vector<16xf32>
      %parallel_loop3A_66 = arith.addf %parallel_loop3A_64, %parallel_loop3A_64 : vector<16xf32>
      %parallel_loop3A_67 = arith.constant 128 : i32
      %parallel_loop3A_68 = vector.broadcast %parallel_loop3A_67 : i32 to vector<16xi32>
      %parallel_loop3A_69 = arith.constant 2047 : i32
      %parallel_loop3A_70 = vector.broadcast %parallel_loop3A_69 : i32 to vector<16xi32>
      %parallel_loop3A_71 = arith.addi %parallel_loop3A_68, %parallel_loop3A_70 : vector<16xi32>
      %parallel_loop3A_72 = tpu.vector_load_idx %arg7[%parallel_loop3A_71] : memref<4352xf32, #tpu.memory_space<vmem>>[vector<16xi32>], vector<16xf32>,
      %parallel_loop3A_73 = arith.cmpf olt, %parallel_loop3A_72, %parallel_loop3A_64 : vector<16xf32>
      %parallel_loop3A_74 = arith.constant 2048 : i32
      %parallel_loop3A_75 = vector.broadcast %parallel_loop3A_74 : i32 to vector<16xi32>
      %parallel_loop3A_76 = arith.addi %parallel_loop3A_68, %parallel_loop3A_75 : vector<16xi32>
      %parallel_loop3A_77 = arith.select %parallel_loop3A_73, %parallel_loop3A_76, %parallel_loop3A_68 : vector<16xi1>, vector<16xi32>
      %parallel_loop3A_78 = arith.constant 1023 : i32
      %parallel_loop3A_79 = vector.broadcast %parallel_loop3A_78 : i32 to vector<16xi32>
      %parallel_loop3A_80 = arith.addi %parallel_loop3A_77, %parallel_loop3A_79 : vector<16xi32>
      %parallel_loop3A_81 = tpu.vector_load_idx %arg7[%parallel_loop3A_80] : memref<4352xf32, #tpu.memory_space<vmem>>[vector<16xi32>], vector<16xf32>,
      %parallel_loop3A_82 = arith.cmpf olt, %parallel_loop3A_81, %parallel_loop3A_64 : vector<16xf32>
      %parallel_loop3A_83 = arith.constant 1024 : i32
      %parallel_loop3A_84 = vector.broadcast %parallel_loop3A_83 : i32 to vector<16xi32>
      %parallel_loop3A_85 = arith.addi %parallel_loop3A_77, %parallel_loop3A_84 : vector<16xi32>
      %parallel_loop3A_86 = arith.select %parallel_loop3A_82, %parallel_loop3A_85, %parallel_loop3A_77 : vector<16xi1>, vector<16xi32>
      %parallel_loop3A_87 = arith.constant 511 : i32
      %parallel_loop3A_88 = vector.broadcast %parallel_loop3A_87 : i32 to vector<16xi32>
      %parallel_loop3A_89 = arith.addi %parallel_loop3A_86, %parallel_loop3A_88 : vector<16xi32>
      %parallel_loop3A_90 = tpu.vector_load_idx %arg7[%parallel_loop3A_89] : memref<4352xf32, #tpu.memory_space<vmem>>[vector<16xi32>], vector<16xf32>,
      %parallel_loop3A_91 = arith.cmpf olt, %parallel_loop3A_90, %parallel_loop3A_64 : vector<16xf32>
      %parallel_loop3A_92 = arith.constant 512 : i32
      %parallel_loop3A_93 = vector.broadcast %parallel_loop3A_92 : i32 to vector<16xi32>
      %parallel_loop3A_94 = arith.addi %parallel_loop3A_86, %parallel_loop3A_93 : vector<16xi32>
      %parallel_loop3A_95 = arith.select %parallel_loop3A_91, %parallel_loop3A_94, %parallel_loop3A_86 : vector<16xi1>, vector<16xi32>
      %parallel_loop3A_96 = arith.constant 255 : i32
      %parallel_loop3A_97 = vector.broadcast %parallel_loop3A_96 : i32 to vector<16xi32>
      %parallel_loop3A_98 = arith.addi %parallel_loop3A_95, %parallel_loop3A_97 : vector<16xi32>
      %parallel_loop3A_99 = tpu.vector_load_idx %arg7[%parallel_loop3A_98] : memref<4352xf32, #tpu.memory_space<vmem>>[vector<16xi32>], vector<16xf32>,
      %parallel_loop3A_100 = arith.cmpf olt, %parallel_loop3A_99, %parallel_loop3A_64 : vector<16xf32>
      %parallel_loop3A_101 = arith.constant 256 : i32
      %parallel_loop3A_102 = vector.broadcast %parallel_loop3A_101 : i32 to vector<16xi32>
      %parallel_loop3A_103 = arith.addi %parallel_loop3A_95, %parallel_loop3A_102 : vector<16xi32>
      %parallel_loop3A_104 = arith.select %parallel_loop3A_100, %parallel_loop3A_103, %parallel_loop3A_95 : vector<16xi1>, vector<16xi32>
      %parallel_loop3A_105 = arith.constant 127 : i32
      %parallel_loop3A_106 = vector.broadcast %parallel_loop3A_105 : i32 to vector<16xi32>
      %parallel_loop3A_107 = arith.addi %parallel_loop3A_104, %parallel_loop3A_106 : vector<16xi32>
      %parallel_loop3A_108 = tpu.vector_load_idx %arg7[%parallel_loop3A_107] : memref<4352xf32, #tpu.memory_space<vmem>>[vector<16xi32>], vector<16xf32>,
      %parallel_loop3A_109 = arith.cmpf olt, %parallel_loop3A_108, %parallel_loop3A_64 : vector<16xf32>
      %parallel_loop3A_110 = arith.constant 128 : i32
      %parallel_loop3A_111 = vector.broadcast %parallel_loop3A_110 : i32 to vector<16xi32>
      %parallel_loop3A_112 = arith.addi %parallel_loop3A_104, %parallel_loop3A_111 : vector<16xi32>
      %parallel_loop3A_113 = arith.select %parallel_loop3A_109, %parallel_loop3A_112, %parallel_loop3A_104 : vector<16xi1>, vector<16xi32>
      %parallel_loop3A_114 = arith.constant 63 : i32
      %parallel_loop3A_115 = vector.broadcast %parallel_loop3A_114 : i32 to vector<16xi32>
      %parallel_loop3A_116 = arith.addi %parallel_loop3A_113, %parallel_loop3A_115 : vector<16xi32>
      %parallel_loop3A_117 = tpu.vector_load_idx %arg7[%parallel_loop3A_116] : memref<4352xf32, #tpu.memory_space<vmem>>[vector<16xi32>], vector<16xf32>,
      %parallel_loop3A_118 = arith.cmpf olt, %parallel_loop3A_117, %parallel_loop3A_64 : vector<16xf32>
      %parallel_loop3A_119 = arith.constant 64 : i32
      %parallel_loop3A_120 = vector.broadcast %parallel_loop3A_119 : i32 to vector<16xi32>
      %parallel_loop3A_121 = arith.addi %parallel_loop3A_113, %parallel_loop3A_120 : vector<16xi32>
      %parallel_loop3A_122 = arith.select %parallel_loop3A_118, %parallel_loop3A_121, %parallel_loop3A_113 : vector<16xi1>, vector<16xi32>
      %parallel_loop3A_123 = arith.constant 31 : i32
      %parallel_loop3A_124 = vector.broadcast %parallel_loop3A_123 : i32 to vector<16xi32>
      %parallel_loop3A_125 = arith.addi %parallel_loop3A_122, %parallel_loop3A_124 : vector<16xi32>
      %parallel_loop3A_126 = tpu.vector_load_idx %arg7[%parallel_loop3A_125] : memref<4352xf32, #tpu.memory_space<vmem>>[vector<16xi32>], vector<16xf32>,
      %parallel_loop3A_127 = arith.cmpf olt, %parallel_loop3A_126, %parallel_loop3A_64 : vector<16xf32>
      %parallel_loop3A_128 = arith.constant 32 : i32
      %parallel_loop3A_129 = vector.broadcast %parallel_loop3A_128 : i32 to vector<16xi32>
      %parallel_loop3A_130 = arith.addi %parallel_loop3A_122, %parallel_loop3A_129 : vector<16xi32>
      %parallel_loop3A_131 = arith.select %parallel_loop3A_127, %parallel_loop3A_130, %parallel_loop3A_122 : vector<16xi1>, vector<16xi32>
      %parallel_loop3A_132 = arith.constant 15 : i32
      %parallel_loop3A_133 = vector.broadcast %parallel_loop3A_132 : i32 to vector<16xi32>
      %parallel_loop3A_134 = arith.addi %parallel_loop3A_131, %parallel_loop3A_133 : vector<16xi32>
      %parallel_loop3A_135 = tpu.vector_load_idx %arg7[%parallel_loop3A_134] : memref<4352xf32, #tpu.memory_space<vmem>>[vector<16xi32>], vector<16xf32>,
      %parallel_loop3A_136 = arith.cmpf olt, %parallel_loop3A_135, %parallel_loop3A_64 : vector<16xf32>
      %parallel_loop3A_137 = arith.constant 16 : i32
      %parallel_loop3A_138 = vector.broadcast %parallel_loop3A_137 : i32 to vector<16xi32>
      %parallel_loop3A_139 = arith.addi %parallel_loop3A_131, %parallel_loop3A_138 : vector<16xi32>
      %parallel_loop3A_140 = arith.select %parallel_loop3A_136, %parallel_loop3A_139, %parallel_loop3A_131 : vector<16xi1>, vector<16xi32>
      %parallel_loop3A_141 = arith.constant 7 : i32
      %parallel_loop3A_142 = vector.broadcast %parallel_loop3A_141 : i32 to vector<16xi32>
      %parallel_loop3A_143 = arith.addi %parallel_loop3A_140, %parallel_loop3A_142 : vector<16xi32>
      %parallel_loop3A_144 = tpu.vector_load_idx %arg7[%parallel_loop3A_143] : memref<4352xf32, #tpu.memory_space<vmem>>[vector<16xi32>], vector<16xf32>,
      %parallel_loop3A_145 = arith.cmpf olt, %parallel_loop3A_144, %parallel_loop3A_64 : vector<16xf32>
      %parallel_loop3A_146 = arith.constant 8 : i32
      %parallel_loop3A_147 = vector.broadcast %parallel_loop3A_146 : i32 to vector<16xi32>
      %parallel_loop3A_148 = arith.addi %parallel_loop3A_140, %parallel_loop3A_147 : vector<16xi32>
      %parallel_loop3A_149 = arith.select %parallel_loop3A_145, %parallel_loop3A_148, %parallel_loop3A_140 : vector<16xi1>, vector<16xi32>
      %parallel_loop3A_150 = arith.constant 3 : i32
      %parallel_loop3A_151 = vector.broadcast %parallel_loop3A_150 : i32 to vector<16xi32>
      %parallel_loop3A_152 = arith.addi %parallel_loop3A_149, %parallel_loop3A_151 : vector<16xi32>
      %parallel_loop3A_153 = tpu.vector_load_idx %arg7[%parallel_loop3A_152] : memref<4352xf32, #tpu.memory_space<vmem>>[vector<16xi32>], vector<16xf32>,
      %parallel_loop3A_154 = arith.cmpf olt, %parallel_loop3A_153, %parallel_loop3A_64 : vector<16xf32>
      %parallel_loop3A_155 = arith.constant 4 : i32
      %parallel_loop3A_156 = vector.broadcast %parallel_loop3A_155 : i32 to vector<16xi32>
      %parallel_loop3A_157 = arith.addi %parallel_loop3A_149, %parallel_loop3A_156 : vector<16xi32>
      %parallel_loop3A_158 = arith.select %parallel_loop3A_154, %parallel_loop3A_157, %parallel_loop3A_149 : vector<16xi1>, vector<16xi32>
      %parallel_loop3A_159 = arith.constant 1 : i32
      %parallel_loop3A_160 = vector.broadcast %parallel_loop3A_159 : i32 to vector<16xi32>
      %parallel_loop3A_161 = arith.addi %parallel_loop3A_158, %parallel_loop3A_160 : vector<16xi32>
      %parallel_loop3A_162 = tpu.vector_load_idx %arg7[%parallel_loop3A_161] : memref<4352xf32, #tpu.memory_space<vmem>>[vector<16xi32>], vector<16xf32>,
      %parallel_loop3A_163 = arith.cmpf olt, %parallel_loop3A_162, %parallel_loop3A_64 : vector<16xf32>
      %parallel_loop3A_164 = arith.constant 2 : i32
      %parallel_loop3A_165 = vector.broadcast %parallel_loop3A_164 : i32 to vector<16xi32>
      %parallel_loop3A_166 = arith.addi %parallel_loop3A_158, %parallel_loop3A_165 : vector<16xi32>
      %parallel_loop3A_167 = arith.select %parallel_loop3A_163, %parallel_loop3A_166, %parallel_loop3A_158 : vector<16xi1>, vector<16xi32>
      %parallel_loop3A_168 = arith.constant 0 : i32
      %parallel_loop3A_169 = vector.broadcast %parallel_loop3A_168 : i32 to vector<16xi32>
      %parallel_loop3A_170 = arith.addi %parallel_loop3A_167, %parallel_loop3A_169 : vector<16xi32>
      %parallel_loop3A_171 = tpu.vector_load_idx %arg7[%parallel_loop3A_170] : memref<4352xf32, #tpu.memory_space<vmem>>[vector<16xi32>], vector<16xf32>,
      %parallel_loop3A_172 = arith.cmpf olt, %parallel_loop3A_171, %parallel_loop3A_64 : vector<16xf32>
      %parallel_loop3A_173 = arith.constant 1 : i32
      %parallel_loop3A_174 = vector.broadcast %parallel_loop3A_173 : i32 to vector<16xi32>
      %parallel_loop3A_175 = arith.addi %parallel_loop3A_167, %parallel_loop3A_174 : vector<16xi32>
      %parallel_loop3A_176 = arith.select %parallel_loop3A_172, %parallel_loop3A_175, %parallel_loop3A_167 : vector<16xi1>, vector<16xi32>
      %parallel_loop3A_177 = arith.minsi %parallel_loop3A_176, %add3A_51 : vector<16xi32>
      %parallel_loop3A_178 = arith.constant 1 : i32
      %parallel_loop3A_179 = vector.broadcast %parallel_loop3A_178 : i32 to vector<16xi32>
      %parallel_loop3A_180 = arith.subi %parallel_loop3A_177, %parallel_loop3A_179 : vector<16xi32>
      %parallel_loop3A_181 = tpu.vector_load_idx %arg7[%parallel_loop3A_180] : memref<4352xf32, #tpu.memory_space<vmem>>[vector<16xi32>], vector<16xf32>,
      %parallel_loop3A_182 = arith.mulf %parallel_loop3A_181, %parallel_loop3A_181 : vector<16xf32>
      %parallel_loop3A_183 = arith.addf %parallel_loop3A_65, %parallel_loop3A_182 : vector<16xf32>
      %parallel_loop3A_184 = arith.mulf %parallel_loop3A_66, %parallel_loop3A_181 : vector<16xf32>
      %parallel_loop3A_185 = arith.subf %parallel_loop3A_183, %parallel_loop3A_184 : vector<16xf32>
      %parallel_loop3A_186 = tpu.vector_load_idx %arg7[%parallel_loop3A_177] : memref<4352xf32, #tpu.memory_space<vmem>>[vector<16xi32>], vector<16xf32>,
      %parallel_loop3A_187 = arith.mulf %parallel_loop3A_186, %parallel_loop3A_186 : vector<16xf32>
      %parallel_loop3A_188 = arith.addf %parallel_loop3A_65, %parallel_loop3A_187 : vector<16xf32>
      %parallel_loop3A_189 = arith.mulf %parallel_loop3A_66, %parallel_loop3A_186 : vector<16xf32>
      %parallel_loop3A_190 = arith.subf %parallel_loop3A_188, %parallel_loop3A_189 : vector<16xf32>
      %parallel_loop3A_191 = arith.cmpf ole, %parallel_loop3A_185, %parallel_loop3A_190 : vector<16xf32>
      %parallel_loop3A_192 = arith.select %parallel_loop3A_191, %parallel_loop3A_180, %parallel_loop3A_177 : vector<16xi1>, vector<16xi32>
      %parallel_loop3A_193 = arith.constant 0 : i32
      %parallel_loop3A_194 = vector.broadcast %parallel_loop3A_193 : i32 to vector<16xi32>
      %parallel_loop3A_195 = arith.constant 128 : i32
      %parallel_loop3A_196 = vector.broadcast %parallel_loop3A_195 : i32 to vector<16xi32>
      %parallel_loop3A_197 = arith.subi %parallel_loop3A_192, %parallel_loop3A_196 : vector<16xi32>
      tpu.vector_store_idx %arg9[%parallel_loop3A_63, %parallel_loop3A_194], %parallel_loop3A_197 : memref<512x16xi32, #tpu.memory_space<vmem>>[vector<16xi32>, vector<16xi32>], vector<16xi32>,
      %parallel_loop3A_198 = arith.constant 1 : i32
      %parallel_loop3A_199 = vector.broadcast %parallel_loop3A_198 : i32 to vector<16xi32>
      %parallel_loop3A_200 = arith.subi %parallel_loop3A_192, %parallel_loop3A_199 : vector<16xi32>
      %parallel_loop3A_201 = arith.constant 1 : i32
      %parallel_loop3A_202 = vector.broadcast %parallel_loop3A_201 : i32 to vector<16xi32>
      %parallel_loop3A_203 = arith.addi %parallel_loop3A_192, %parallel_loop3A_202 : vector<16xi32>
      %parallel_loop3A_204 = arith.select %parallel_loop3A_191, %parallel_loop3A_200, %parallel_loop3A_203 : vector<16xi1>, vector<16xi32>
      %parallel_loop3A_205 = arith.select %parallel_loop3A_191, %parallel_loop3A_204, %parallel_loop3A_180 : vector<16xi1>, vector<16xi32>
      %parallel_loop3A_206 = arith.select %parallel_loop3A_191, %parallel_loop3A_177, %parallel_loop3A_204 : vector<16xi1>, vector<16xi32>
      %parallel_loop3A_207 = tpu.vector_load_idx %arg7[%parallel_loop3A_204] : memref<4352xf32, #tpu.memory_space<vmem>>[vector<16xi32>], vector<16xf32>,
      %parallel_loop3A_208 = arith.mulf %parallel_loop3A_207, %parallel_loop3A_207 : vector<16xf32>
      %parallel_loop3A_209 = arith.addf %parallel_loop3A_65, %parallel_loop3A_208 : vector<16xf32>
      %parallel_loop3A_210 = arith.mulf %parallel_loop3A_66, %parallel_loop3A_207 : vector<16xf32>
      %parallel_loop3A_211 = arith.subf %parallel_loop3A_209, %parallel_loop3A_210 : vector<16xf32>
      %parallel_loop3A_212 = arith.select %parallel_loop3A_191, %parallel_loop3A_211, %parallel_loop3A_185 : vector<16xi1>, vector<16xf32>
      %parallel_loop3A_213 = arith.select %parallel_loop3A_191, %parallel_loop3A_190, %parallel_loop3A_211 : vector<16xi1>, vector<16xf32>
      %parallel_loop3A_214 = arith.cmpf ole, %parallel_loop3A_212, %parallel_loop3A_213 : vector<16xf32>
      %parallel_loop3A_215 = arith.select %parallel_loop3A_214, %parallel_loop3A_205, %parallel_loop3A_206 : vector<16xi1>, vector<16xi32>
      %parallel_loop3A_216 = arith.constant 1 : i32
      %parallel_loop3A_217 = vector.broadcast %parallel_loop3A_216 : i32 to vector<16xi32>
      %parallel_loop3A_218 = arith.constant 128 : i32
      %parallel_loop3A_219 = vector.broadcast %parallel_loop3A_218 : i32 to vector<16xi32>
      %parallel_loop3A_220 = arith.subi %parallel_loop3A_215, %parallel_loop3A_219 : vector<16xi32>
      tpu.vector_store_idx %arg9[%parallel_loop3A_63, %parallel_loop3A_217], %parallel_loop3A_220 : memref<512x16xi32, #tpu.memory_space<vmem>>[vector<16xi32>, vector<16xi32>], vector<16xi32>,
      %parallel_loop3A_221 = arith.constant 1 : i32
      %parallel_loop3A_222 = vector.broadcast %parallel_loop3A_221 : i32 to vector<16xi32>
      %parallel_loop3A_223 = arith.subi %parallel_loop3A_215, %parallel_loop3A_222 : vector<16xi32>
      %parallel_loop3A_224 = arith.constant 1 : i32
      %parallel_loop3A_225 = vector.broadcast %parallel_loop3A_224 : i32 to vector<16xi32>
      %parallel_loop3A_226 = arith.addi %parallel_loop3A_215, %parallel_loop3A_225 : vector<16xi32>
      %parallel_loop3A_227 = arith.select %parallel_loop3A_214, %parallel_loop3A_223, %parallel_loop3A_226 : vector<16xi1>, vector<16xi32>
      %parallel_loop3A_228 = arith.select %parallel_loop3A_214, %parallel_loop3A_227, %parallel_loop3A_205 : vector<16xi1>, vector<16xi32>
      %parallel_loop3A_229 = arith.select %parallel_loop3A_214, %parallel_loop3A_206, %parallel_loop3A_227 : vector<16xi1>, vector<16xi32>
      %parallel_loop3A_230 = tpu.vector_load_idx %arg7[%parallel_loop3A_227] : memref<4352xf32, #tpu.memory_space<vmem>>[vector<16xi32>], vector<16xf32>,
      %parallel_loop3A_231 = arith.mulf %parallel_loop3A_230, %parallel_loop3A_230 : vector<16xf32>
      %parallel_loop3A_232 = arith.addf %parallel_loop3A_65, %parallel_loop3A_231 : vector<16xf32>
      %parallel_loop3A_233 = arith.mulf %parallel_loop3A_66, %parallel_loop3A_230 : vector<16xf32>
      %parallel_loop3A_234 = arith.subf %parallel_loop3A_232, %parallel_loop3A_233 : vector<16xf32>
      %parallel_loop3A_235 = arith.select %parallel_loop3A_214, %parallel_loop3A_234, %parallel_loop3A_212 : vector<16xi1>, vector<16xf32>
      %parallel_loop3A_236 = arith.select %parallel_loop3A_214, %parallel_loop3A_213, %parallel_loop3A_234 : vector<16xi1>, vector<16xf32>
      %parallel_loop3A_237 = arith.cmpf ole, %parallel_loop3A_235, %parallel_loop3A_236 : vector<16xf32>
      %parallel_loop3A_238 = arith.select %parallel_loop3A_237, %parallel_loop3A_228, %parallel_loop3A_229 : vector<16xi1>, vector<16xi32>
      %parallel_loop3A_239 = arith.constant 2 : i32
      %parallel_loop3A_240 = vector.broadcast %parallel_loop3A_239 : i32 to vector<16xi32>
      %parallel_loop3A_241 = arith.constant 128 : i32
      %parallel_loop3A_242 = vector.broadcast %parallel_loop3A_241 : i32 to vector<16xi32>
      %parallel_loop3A_243 = arith.subi %parallel_loop3A_238, %parallel_loop3A_242 : vector<16xi32>
      tpu.vector_store_idx %arg9[%parallel_loop3A_63, %parallel_loop3A_240], %parallel_loop3A_243 : memref<512x16xi32, #tpu.memory_space<vmem>>[vector<16xi32>, vector<16xi32>], vector<16xi32>,
      %parallel_loop3A_244 = arith.constant 1 : i32
      %parallel_loop3A_245 = vector.broadcast %parallel_loop3A_244 : i32 to vector<16xi32>
      %parallel_loop3A_246 = arith.subi %parallel_loop3A_238, %parallel_loop3A_245 : vector<16xi32>
      %parallel_loop3A_247 = arith.constant 1 : i32
      %parallel_loop3A_248 = vector.broadcast %parallel_loop3A_247 : i32 to vector<16xi32>
      %parallel_loop3A_249 = arith.addi %parallel_loop3A_238, %parallel_loop3A_248 : vector<16xi32>
      %parallel_loop3A_250 = arith.select %parallel_loop3A_237, %parallel_loop3A_246, %parallel_loop3A_249 : vector<16xi1>, vector<16xi32>
      %parallel_loop3A_251 = arith.select %parallel_loop3A_237, %parallel_loop3A_250, %parallel_loop3A_228 : vector<16xi1>, vector<16xi32>
      %parallel_loop3A_252 = arith.select %parallel_loop3A_237, %parallel_loop3A_229, %parallel_loop3A_250 : vector<16xi1>, vector<16xi32>
      %parallel_loop3A_253 = tpu.vector_load_idx %arg7[%parallel_loop3A_250] : memref<4352xf32, #tpu.memory_space<vmem>>[vector<16xi32>], vector<16xf32>,
      %parallel_loop3A_254 = arith.mulf %parallel_loop3A_253, %parallel_loop3A_253 : vector<16xf32>
      %parallel_loop3A_255 = arith.addf %parallel_loop3A_65, %parallel_loop3A_254 : vector<16xf32>
      %parallel_loop3A_256 = arith.mulf %parallel_loop3A_66, %parallel_loop3A_253 : vector<16xf32>
      %parallel_loop3A_257 = arith.subf %parallel_loop3A_255, %parallel_loop3A_256 : vector<16xf32>
      %parallel_loop3A_258 = arith.select %parallel_loop3A_237, %parallel_loop3A_257, %parallel_loop3A_235 : vector<16xi1>, vector<16xf32>
      %parallel_loop3A_259 = arith.select %parallel_loop3A_237, %parallel_loop3A_236, %parallel_loop3A_257 : vector<16xi1>, vector<16xf32>
      %parallel_loop3A_260 = arith.cmpf ole, %parallel_loop3A_258, %parallel_loop3A_259 : vector<16xf32>
      %parallel_loop3A_261 = arith.select %parallel_loop3A_260, %parallel_loop3A_251, %parallel_loop3A_252 : vector<16xi1>, vector<16xi32>
      %parallel_loop3A_262 = arith.constant 3 : i32
      %parallel_loop3A_263 = vector.broadcast %parallel_loop3A_262 : i32 to vector<16xi32>
      %parallel_loop3A_264 = arith.constant 128 : i32
      %parallel_loop3A_265 = vector.broadcast %parallel_loop3A_264 : i32 to vector<16xi32>
      %parallel_loop3A_266 = arith.subi %parallel_loop3A_261, %parallel_loop3A_265 : vector<16xi32>
      tpu.vector_store_idx %arg9[%parallel_loop3A_63, %parallel_loop3A_263], %parallel_loop3A_266 : memref<512x16xi32, #tpu.memory_space<vmem>>[vector<16xi32>, vector<16xi32>], vector<16xi32>,
      %parallel_loop3A_267 = arith.constant 1 : i32
      %parallel_loop3A_268 = vector.broadcast %parallel_loop3A_267 : i32 to vector<16xi32>
      %parallel_loop3A_269 = arith.subi %parallel_loop3A_261, %parallel_loop3A_268 : vector<16xi32>
      %parallel_loop3A_270 = arith.constant 1 : i32
      %parallel_loop3A_271 = vector.broadcast %parallel_loop3A_270 : i32 to vector<16xi32>
      %parallel_loop3A_272 = arith.addi %parallel_loop3A_261, %parallel_loop3A_271 : vector<16xi32>
      %parallel_loop3A_273 = arith.select %parallel_loop3A_260, %parallel_loop3A_269, %parallel_loop3A_272 : vector<16xi1>, vector<16xi32>
      %parallel_loop3A_274 = arith.select %parallel_loop3A_260, %parallel_loop3A_273, %parallel_loop3A_251 : vector<16xi1>, vector<16xi32>
      %parallel_loop3A_275 = arith.select %parallel_loop3A_260, %parallel_loop3A_252, %parallel_loop3A_273 : vector<16xi1>, vector<16xi32>
      %parallel_loop3A_276 = tpu.vector_load_idx %arg7[%parallel_loop3A_273] : memref<4352xf32, #tpu.memory_space<vmem>>[vector<16xi32>], vector<16xf32>,
      %parallel_loop3A_277 = arith.mulf %parallel_loop3A_276, %parallel_loop3A_276 : vector<16xf32>
      %parallel_loop3A_278 = arith.addf %parallel_loop3A_65, %parallel_loop3A_277 : vector<16xf32>
      %parallel_loop3A_279 = arith.mulf %parallel_loop3A_66, %parallel_loop3A_276 : vector<16xf32>
      %parallel_loop3A_280 = arith.subf %parallel_loop3A_278, %parallel_loop3A_279 : vector<16xf32>
      %parallel_loop3A_281 = arith.select %parallel_loop3A_260, %parallel_loop3A_280, %parallel_loop3A_258 : vector<16xi1>, vector<16xf32>
      %parallel_loop3A_282 = arith.select %parallel_loop3A_260, %parallel_loop3A_259, %parallel_loop3A_280 : vector<16xi1>, vector<16xf32>
      %parallel_loop3A_283 = arith.cmpf ole, %parallel_loop3A_281, %parallel_loop3A_282 : vector<16xf32>
      %parallel_loop3A_284 = arith.select %parallel_loop3A_283, %parallel_loop3A_274, %parallel_loop3A_275 : vector<16xi1>, vector<16xi32>
      %parallel_loop3A_285 = arith.constant 4 : i32
      %parallel_loop3A_286 = vector.broadcast %parallel_loop3A_285 : i32 to vector<16xi32>
      %parallel_loop3A_287 = arith.constant 128 : i32
      %parallel_loop3A_288 = vector.broadcast %parallel_loop3A_287 : i32 to vector<16xi32>
      %parallel_loop3A_289 = arith.subi %parallel_loop3A_284, %parallel_loop3A_288 : vector<16xi32>
      tpu.vector_store_idx %arg9[%parallel_loop3A_63, %parallel_loop3A_286], %parallel_loop3A_289 : memref<512x16xi32, #tpu.memory_space<vmem>>[vector<16xi32>, vector<16xi32>], vector<16xi32>,
      %parallel_loop3A_290 = arith.constant 1 : i32
      %parallel_loop3A_291 = vector.broadcast %parallel_loop3A_290 : i32 to vector<16xi32>
      %parallel_loop3A_292 = arith.subi %parallel_loop3A_284, %parallel_loop3A_291 : vector<16xi32>
      %parallel_loop3A_293 = arith.constant 1 : i32
      %parallel_loop3A_294 = vector.broadcast %parallel_loop3A_293 : i32 to vector<16xi32>
      %parallel_loop3A_295 = arith.addi %parallel_loop3A_284, %parallel_loop3A_294 : vector<16xi32>
      %parallel_loop3A_296 = arith.select %parallel_loop3A_283, %parallel_loop3A_292, %parallel_loop3A_295 : vector<16xi1>, vector<16xi32>
      %parallel_loop3A_297 = arith.select %parallel_loop3A_283, %parallel_loop3A_296, %parallel_loop3A_274 : vector<16xi1>, vector<16xi32>
      %parallel_loop3A_298 = arith.select %parallel_loop3A_283, %parallel_loop3A_275, %parallel_loop3A_296 : vector<16xi1>, vector<16xi32>
      %parallel_loop3A_299 = tpu.vector_load_idx %arg7[%parallel_loop3A_296] : memref<4352xf32, #tpu.memory_space<vmem>>[vector<16xi32>], vector<16xf32>,
      %parallel_loop3A_300 = arith.mulf %parallel_loop3A_299, %parallel_loop3A_299 : vector<16xf32>
      %parallel_loop3A_301 = arith.addf %parallel_loop3A_65, %parallel_loop3A_300 : vector<16xf32>
      %parallel_loop3A_302 = arith.mulf %parallel_loop3A_66, %parallel_loop3A_299 : vector<16xf32>
      %parallel_loop3A_303 = arith.subf %parallel_loop3A_301, %parallel_loop3A_302 : vector<16xf32>
      %parallel_loop3A_304 = arith.select %parallel_loop3A_283, %parallel_loop3A_303, %parallel_loop3A_281 : vector<16xi1>, vector<16xf32>
      %parallel_loop3A_305 = arith.select %parallel_loop3A_283, %parallel_loop3A_282, %parallel_loop3A_303 : vector<16xi1>, vector<16xf32>
      %parallel_loop3A_306 = arith.cmpf ole, %parallel_loop3A_304, %parallel_loop3A_305 : vector<16xf32>
      %parallel_loop3A_307 = arith.select %parallel_loop3A_306, %parallel_loop3A_297, %parallel_loop3A_298 : vector<16xi1>, vector<16xi32>
      %parallel_loop3A_308 = arith.constant 5 : i32
      %parallel_loop3A_309 = vector.broadcast %parallel_loop3A_308 : i32 to vector<16xi32>
      %parallel_loop3A_310 = arith.constant 128 : i32
      %parallel_loop3A_311 = vector.broadcast %parallel_loop3A_310 : i32 to vector<16xi32>
      %parallel_loop3A_312 = arith.subi %parallel_loop3A_307, %parallel_loop3A_311 : vector<16xi32>
      tpu.vector_store_idx %arg9[%parallel_loop3A_63, %parallel_loop3A_309], %parallel_loop3A_312 : memref<512x16xi32, #tpu.memory_space<vmem>>[vector<16xi32>, vector<16xi32>], vector<16xi32>,
      %parallel_loop3A_313 = arith.constant 1 : i32
      %parallel_loop3A_314 = vector.broadcast %parallel_loop3A_313 : i32 to vector<16xi32>
      %parallel_loop3A_315 = arith.subi %parallel_loop3A_307, %parallel_loop3A_314 : vector<16xi32>
      %parallel_loop3A_316 = arith.constant 1 : i32
      %parallel_loop3A_317 = vector.broadcast %parallel_loop3A_316 : i32 to vector<16xi32>
      %parallel_loop3A_318 = arith.addi %parallel_loop3A_307, %parallel_loop3A_317 : vector<16xi32>
      %parallel_loop3A_319 = arith.select %parallel_loop3A_306, %parallel_loop3A_315, %parallel_loop3A_318 : vector<16xi1>, vector<16xi32>
      %parallel_loop3A_320 = arith.select %parallel_loop3A_306, %parallel_loop3A_319, %parallel_loop3A_297 : vector<16xi1>, vector<16xi32>
      %parallel_loop3A_321 = arith.select %parallel_loop3A_306, %parallel_loop3A_298, %parallel_loop3A_319 : vector<16xi1>, vector<16xi32>
      %parallel_loop3A_322 = tpu.vector_load_idx %arg7[%parallel_loop3A_319] : memref<4352xf32, #tpu.memory_space<vmem>>[vector<16xi32>], vector<16xf32>,
      %parallel_loop3A_323 = arith.mulf %parallel_loop3A_322, %parallel_loop3A_322 : vector<16xf32>
      %parallel_loop3A_324 = arith.addf %parallel_loop3A_65, %parallel_loop3A_323 : vector<16xf32>
      %parallel_loop3A_325 = arith.mulf %parallel_loop3A_66, %parallel_loop3A_322 : vector<16xf32>
      %parallel_loop3A_326 = arith.subf %parallel_loop3A_324, %parallel_loop3A_325 : vector<16xf32>
      %parallel_loop3A_327 = arith.select %parallel_loop3A_306, %parallel_loop3A_326, %parallel_loop3A_304 : vector<16xi1>, vector<16xf32>
      %parallel_loop3A_328 = arith.select %parallel_loop3A_306, %parallel_loop3A_305, %parallel_loop3A_326 : vector<16xi1>, vector<16xf32>
      %parallel_loop3A_329 = arith.cmpf ole, %parallel_loop3A_327, %parallel_loop3A_328 : vector<16xf32>
      %parallel_loop3A_330 = arith.select %parallel_loop3A_329, %parallel_loop3A_320, %parallel_loop3A_321 : vector<16xi1>, vector<16xi32>
      %parallel_loop3A_331 = arith.constant 6 : i32
      %parallel_loop3A_332 = vector.broadcast %parallel_loop3A_331 : i32 to vector<16xi32>
      %parallel_loop3A_333 = arith.constant 128 : i32
      %parallel_loop3A_334 = vector.broadcast %parallel_loop3A_333 : i32 to vector<16xi32>
      %parallel_loop3A_335 = arith.subi %parallel_loop3A_330, %parallel_loop3A_334 : vector<16xi32>
      tpu.vector_store_idx %arg9[%parallel_loop3A_63, %parallel_loop3A_332], %parallel_loop3A_335 : memref<512x16xi32, #tpu.memory_space<vmem>>[vector<16xi32>, vector<16xi32>], vector<16xi32>,
      %parallel_loop3A_336 = arith.constant 1 : i32
      %parallel_loop3A_337 = vector.broadcast %parallel_loop3A_336 : i32 to vector<16xi32>
      %parallel_loop3A_338 = arith.subi %parallel_loop3A_330, %parallel_loop3A_337 : vector<16xi32>
      %parallel_loop3A_339 = arith.constant 1 : i32
      %parallel_loop3A_340 = vector.broadcast %parallel_loop3A_339 : i32 to vector<16xi32>
      %parallel_loop3A_341 = arith.addi %parallel_loop3A_330, %parallel_loop3A_340 : vector<16xi32>
      %parallel_loop3A_342 = arith.select %parallel_loop3A_329, %parallel_loop3A_338, %parallel_loop3A_341 : vector<16xi1>, vector<16xi32>
      %parallel_loop3A_343 = arith.select %parallel_loop3A_329, %parallel_loop3A_342, %parallel_loop3A_320 : vector<16xi1>, vector<16xi32>
      %parallel_loop3A_344 = arith.select %parallel_loop3A_329, %parallel_loop3A_321, %parallel_loop3A_342 : vector<16xi1>, vector<16xi32>
      %parallel_loop3A_345 = tpu.vector_load_idx %arg7[%parallel_loop3A_342] : memref<4352xf32, #tpu.memory_space<vmem>>[vector<16xi32>], vector<16xf32>,
      %parallel_loop3A_346 = arith.mulf %parallel_loop3A_345, %parallel_loop3A_345 : vector<16xf32>
      %parallel_loop3A_347 = arith.addf %parallel_loop3A_65, %parallel_loop3A_346 : vector<16xf32>
      %parallel_loop3A_348 = arith.mulf %parallel_loop3A_66, %parallel_loop3A_345 : vector<16xf32>
      %parallel_loop3A_349 = arith.subf %parallel_loop3A_347, %parallel_loop3A_348 : vector<16xf32>
      %parallel_loop3A_350 = arith.select %parallel_loop3A_329, %parallel_loop3A_349, %parallel_loop3A_327 : vector<16xi1>, vector<16xf32>
      %parallel_loop3A_351 = arith.select %parallel_loop3A_329, %parallel_loop3A_328, %parallel_loop3A_349 : vector<16xi1>, vector<16xf32>
      %parallel_loop3A_352 = arith.cmpf ole, %parallel_loop3A_350, %parallel_loop3A_351 : vector<16xf32>
      %parallel_loop3A_353 = arith.select %parallel_loop3A_352, %parallel_loop3A_343, %parallel_loop3A_344 : vector<16xi1>, vector<16xi32>
      %parallel_loop3A_354 = arith.constant 7 : i32
      %parallel_loop3A_355 = vector.broadcast %parallel_loop3A_354 : i32 to vector<16xi32>
      %parallel_loop3A_356 = arith.constant 128 : i32
      %parallel_loop3A_357 = vector.broadcast %parallel_loop3A_356 : i32 to vector<16xi32>
      %parallel_loop3A_358 = arith.subi %parallel_loop3A_353, %parallel_loop3A_357 : vector<16xi32>
      tpu.vector_store_idx %arg9[%parallel_loop3A_63, %parallel_loop3A_355], %parallel_loop3A_358 : memref<512x16xi32, #tpu.memory_space<vmem>>[vector<16xi32>, vector<16xi32>], vector<16xi32>,
      %parallel_loop3A_359 = arith.constant 1 : i32
      %parallel_loop3A_360 = vector.broadcast %parallel_loop3A_359 : i32 to vector<16xi32>
      %parallel_loop3A_361 = arith.subi %parallel_loop3A_353, %parallel_loop3A_360 : vector<16xi32>
      %parallel_loop3A_362 = arith.constant 1 : i32
      %parallel_loop3A_363 = vector.broadcast %parallel_loop3A_362 : i32 to vector<16xi32>
      %parallel_loop3A_364 = arith.addi %parallel_loop3A_353, %parallel_loop3A_363 : vector<16xi32>
      %parallel_loop3A_365 = arith.select %parallel_loop3A_352, %parallel_loop3A_361, %parallel_loop3A_364 : vector<16xi1>, vector<16xi32>
      %parallel_loop3A_366 = arith.select %parallel_loop3A_352, %parallel_loop3A_365, %parallel_loop3A_343 : vector<16xi1>, vector<16xi32>
      %parallel_loop3A_367 = arith.select %parallel_loop3A_352, %parallel_loop3A_344, %parallel_loop3A_365 : vector<16xi1>, vector<16xi32>
      %parallel_loop3A_368 = tpu.vector_load_idx %arg7[%parallel_loop3A_365] : memref<4352xf32, #tpu.memory_space<vmem>>[vector<16xi32>], vector<16xf32>,
      %parallel_loop3A_369 = arith.mulf %parallel_loop3A_368, %parallel_loop3A_368 : vector<16xf32>
      %parallel_loop3A_370 = arith.addf %parallel_loop3A_65, %parallel_loop3A_369 : vector<16xf32>
      %parallel_loop3A_371 = arith.mulf %parallel_loop3A_66, %parallel_loop3A_368 : vector<16xf32>
      %parallel_loop3A_372 = arith.subf %parallel_loop3A_370, %parallel_loop3A_371 : vector<16xf32>
      %parallel_loop3A_373 = arith.select %parallel_loop3A_352, %parallel_loop3A_372, %parallel_loop3A_350 : vector<16xi1>, vector<16xf32>
      %parallel_loop3A_374 = arith.select %parallel_loop3A_352, %parallel_loop3A_351, %parallel_loop3A_372 : vector<16xi1>, vector<16xf32>
      %parallel_loop3A_375 = arith.cmpf ole, %parallel_loop3A_373, %parallel_loop3A_374 : vector<16xf32>
      %parallel_loop3A_376 = arith.select %parallel_loop3A_375, %parallel_loop3A_366, %parallel_loop3A_367 : vector<16xi1>, vector<16xi32>
      %parallel_loop3A_377 = arith.constant 8 : i32
      %parallel_loop3A_378 = vector.broadcast %parallel_loop3A_377 : i32 to vector<16xi32>
      %parallel_loop3A_379 = arith.constant 128 : i32
      %parallel_loop3A_380 = vector.broadcast %parallel_loop3A_379 : i32 to vector<16xi32>
      %parallel_loop3A_381 = arith.subi %parallel_loop3A_376, %parallel_loop3A_380 : vector<16xi32>
      tpu.vector_store_idx %arg9[%parallel_loop3A_63, %parallel_loop3A_378], %parallel_loop3A_381 : memref<512x16xi32, #tpu.memory_space<vmem>>[vector<16xi32>, vector<16xi32>], vector<16xi32>,
      %parallel_loop3A_382 = arith.constant 1 : i32
      %parallel_loop3A_383 = vector.broadcast %parallel_loop3A_382 : i32 to vector<16xi32>
      %parallel_loop3A_384 = arith.subi %parallel_loop3A_376, %parallel_loop3A_383 : vector<16xi32>
      %parallel_loop3A_385 = arith.constant 1 : i32
      %parallel_loop3A_386 = vector.broadcast %parallel_loop3A_385 : i32 to vector<16xi32>
      %parallel_loop3A_387 = arith.addi %parallel_loop3A_376, %parallel_loop3A_386 : vector<16xi32>
      %parallel_loop3A_388 = arith.select %parallel_loop3A_375, %parallel_loop3A_384, %parallel_loop3A_387 : vector<16xi1>, vector<16xi32>
      %parallel_loop3A_389 = arith.select %parallel_loop3A_375, %parallel_loop3A_388, %parallel_loop3A_366 : vector<16xi1>, vector<16xi32>
      %parallel_loop3A_390 = arith.select %parallel_loop3A_375, %parallel_loop3A_367, %parallel_loop3A_388 : vector<16xi1>, vector<16xi32>
      %parallel_loop3A_391 = tpu.vector_load_idx %arg7[%parallel_loop3A_388] : memref<4352xf32, #tpu.memory_space<vmem>>[vector<16xi32>], vector<16xf32>,
      %parallel_loop3A_392 = arith.mulf %parallel_loop3A_391, %parallel_loop3A_391 : vector<16xf32>
      %parallel_loop3A_393 = arith.addf %parallel_loop3A_65, %parallel_loop3A_392 : vector<16xf32>
      %parallel_loop3A_394 = arith.mulf %parallel_loop3A_66, %parallel_loop3A_391 : vector<16xf32>
      %parallel_loop3A_395 = arith.subf %parallel_loop3A_393, %parallel_loop3A_394 : vector<16xf32>
      %parallel_loop3A_396 = arith.select %parallel_loop3A_375, %parallel_loop3A_395, %parallel_loop3A_373 : vector<16xi1>, vector<16xf32>
      %parallel_loop3A_397 = arith.select %parallel_loop3A_375, %parallel_loop3A_374, %parallel_loop3A_395 : vector<16xi1>, vector<16xf32>
      %parallel_loop3A_398 = arith.cmpf ole, %parallel_loop3A_396, %parallel_loop3A_397 : vector<16xf32>
      %parallel_loop3A_399 = arith.select %parallel_loop3A_398, %parallel_loop3A_389, %parallel_loop3A_390 : vector<16xi1>, vector<16xi32>
      %parallel_loop3A_400 = arith.constant 9 : i32
      %parallel_loop3A_401 = vector.broadcast %parallel_loop3A_400 : i32 to vector<16xi32>
      %parallel_loop3A_402 = arith.constant 128 : i32
      %parallel_loop3A_403 = vector.broadcast %parallel_loop3A_402 : i32 to vector<16xi32>
      %parallel_loop3A_404 = arith.subi %parallel_loop3A_399, %parallel_loop3A_403 : vector<16xi32>
      tpu.vector_store_idx %arg9[%parallel_loop3A_63, %parallel_loop3A_401], %parallel_loop3A_404 : memref<512x16xi32, #tpu.memory_space<vmem>>[vector<16xi32>, vector<16xi32>], vector<16xi32>,
      %parallel_loop3A_405 = arith.constant 1 : i32
      %parallel_loop3A_406 = vector.broadcast %parallel_loop3A_405 : i32 to vector<16xi32>
      %parallel_loop3A_407 = arith.subi %parallel_loop3A_399, %parallel_loop3A_406 : vector<16xi32>
      %parallel_loop3A_408 = arith.constant 1 : i32
      %parallel_loop3A_409 = vector.broadcast %parallel_loop3A_408 : i32 to vector<16xi32>
      %parallel_loop3A_410 = arith.addi %parallel_loop3A_399, %parallel_loop3A_409 : vector<16xi32>
      %parallel_loop3A_411 = arith.select %parallel_loop3A_398, %parallel_loop3A_407, %parallel_loop3A_410 : vector<16xi1>, vector<16xi32>
      %parallel_loop3A_412 = arith.select %parallel_loop3A_398, %parallel_loop3A_411, %parallel_loop3A_389 : vector<16xi1>, vector<16xi32>
      %parallel_loop3A_413 = arith.select %parallel_loop3A_398, %parallel_loop3A_390, %parallel_loop3A_411 : vector<16xi1>, vector<16xi32>
      %parallel_loop3A_414 = tpu.vector_load_idx %arg7[%parallel_loop3A_411] : memref<4352xf32, #tpu.memory_space<vmem>>[vector<16xi32>], vector<16xf32>,
      %parallel_loop3A_415 = arith.mulf %parallel_loop3A_414, %parallel_loop3A_414 : vector<16xf32>
      %parallel_loop3A_416 = arith.addf %parallel_loop3A_65, %parallel_loop3A_415 : vector<16xf32>
      %parallel_loop3A_417 = arith.mulf %parallel_loop3A_66, %parallel_loop3A_414 : vector<16xf32>
      %parallel_loop3A_418 = arith.subf %parallel_loop3A_416, %parallel_loop3A_417 : vector<16xf32>
      %parallel_loop3A_419 = arith.select %parallel_loop3A_398, %parallel_loop3A_418, %parallel_loop3A_396 : vector<16xi1>, vector<16xf32>
      %parallel_loop3A_420 = arith.select %parallel_loop3A_398, %parallel_loop3A_397, %parallel_loop3A_418 : vector<16xi1>, vector<16xf32>
      %parallel_loop3A_421 = arith.cmpf ole, %parallel_loop3A_419, %parallel_loop3A_420 : vector<16xf32>
      %parallel_loop3A_422 = arith.select %parallel_loop3A_421, %parallel_loop3A_412, %parallel_loop3A_413 : vector<16xi1>, vector<16xi32>
      %parallel_loop3A_423 = arith.constant 10 : i32
      %parallel_loop3A_424 = vector.broadcast %parallel_loop3A_423 : i32 to vector<16xi32>
      %parallel_loop3A_425 = arith.constant 128 : i32
      %parallel_loop3A_426 = vector.broadcast %parallel_loop3A_425 : i32 to vector<16xi32>
      %parallel_loop3A_427 = arith.subi %parallel_loop3A_422, %parallel_loop3A_426 : vector<16xi32>
      tpu.vector_store_idx %arg9[%parallel_loop3A_63, %parallel_loop3A_424], %parallel_loop3A_427 : memref<512x16xi32, #tpu.memory_space<vmem>>[vector<16xi32>, vector<16xi32>], vector<16xi32>,
      %parallel_loop3A_428 = arith.constant 1 : i32
      %parallel_loop3A_429 = vector.broadcast %parallel_loop3A_428 : i32 to vector<16xi32>
      %parallel_loop3A_430 = arith.subi %parallel_loop3A_422, %parallel_loop3A_429 : vector<16xi32>
      %parallel_loop3A_431 = arith.constant 1 : i32
      %parallel_loop3A_432 = vector.broadcast %parallel_loop3A_431 : i32 to vector<16xi32>
      %parallel_loop3A_433 = arith.addi %parallel_loop3A_422, %parallel_loop3A_432 : vector<16xi32>
      %parallel_loop3A_434 = arith.select %parallel_loop3A_421, %parallel_loop3A_430, %parallel_loop3A_433 : vector<16xi1>, vector<16xi32>
      %parallel_loop3A_435 = arith.select %parallel_loop3A_421, %parallel_loop3A_434, %parallel_loop3A_412 : vector<16xi1>, vector<16xi32>
      %parallel_loop3A_436 = arith.select %parallel_loop3A_421, %parallel_loop3A_413, %parallel_loop3A_434 : vector<16xi1>, vector<16xi32>
      %parallel_loop3A_437 = tpu.vector_load_idx %arg7[%parallel_loop3A_434] : memref<4352xf32, #tpu.memory_space<vmem>>[vector<16xi32>], vector<16xf32>,
      %parallel_loop3A_438 = arith.mulf %parallel_loop3A_437, %parallel_loop3A_437 : vector<16xf32>
      %parallel_loop3A_439 = arith.addf %parallel_loop3A_65, %parallel_loop3A_438 : vector<16xf32>
      %parallel_loop3A_440 = arith.mulf %parallel_loop3A_66, %parallel_loop3A_437 : vector<16xf32>
      %parallel_loop3A_441 = arith.subf %parallel_loop3A_439, %parallel_loop3A_440 : vector<16xf32>
      %parallel_loop3A_442 = arith.select %parallel_loop3A_421, %parallel_loop3A_441, %parallel_loop3A_419 : vector<16xi1>, vector<16xf32>
      %parallel_loop3A_443 = arith.select %parallel_loop3A_421, %parallel_loop3A_420, %parallel_loop3A_441 : vector<16xi1>, vector<16xf32>
      %parallel_loop3A_444 = arith.cmpf ole, %parallel_loop3A_442, %parallel_loop3A_443 : vector<16xf32>
      %parallel_loop3A_445 = arith.select %parallel_loop3A_444, %parallel_loop3A_435, %parallel_loop3A_436 : vector<16xi1>, vector<16xi32>
      %parallel_loop3A_446 = arith.constant 11 : i32
      %parallel_loop3A_447 = vector.broadcast %parallel_loop3A_446 : i32 to vector<16xi32>
      %parallel_loop3A_448 = arith.constant 128 : i32
      %parallel_loop3A_449 = vector.broadcast %parallel_loop3A_448 : i32 to vector<16xi32>
      %parallel_loop3A_450 = arith.subi %parallel_loop3A_445, %parallel_loop3A_449 : vector<16xi32>
      tpu.vector_store_idx %arg9[%parallel_loop3A_63, %parallel_loop3A_447], %parallel_loop3A_450 : memref<512x16xi32, #tpu.memory_space<vmem>>[vector<16xi32>, vector<16xi32>], vector<16xi32>,
      %parallel_loop3A_451 = arith.constant 1 : i32
      %parallel_loop3A_452 = vector.broadcast %parallel_loop3A_451 : i32 to vector<16xi32>
      %parallel_loop3A_453 = arith.subi %parallel_loop3A_445, %parallel_loop3A_452 : vector<16xi32>
      %parallel_loop3A_454 = arith.constant 1 : i32
      %parallel_loop3A_455 = vector.broadcast %parallel_loop3A_454 : i32 to vector<16xi32>
      %parallel_loop3A_456 = arith.addi %parallel_loop3A_445, %parallel_loop3A_455 : vector<16xi32>
      %parallel_loop3A_457 = arith.select %parallel_loop3A_444, %parallel_loop3A_453, %parallel_loop3A_456 : vector<16xi1>, vector<16xi32>
      %parallel_loop3A_458 = arith.select %parallel_loop3A_444, %parallel_loop3A_457, %parallel_loop3A_435 : vector<16xi1>, vector<16xi32>
      %parallel_loop3A_459 = arith.select %parallel_loop3A_444, %parallel_loop3A_436, %parallel_loop3A_457 : vector<16xi1>, vector<16xi32>
      %parallel_loop3A_460 = tpu.vector_load_idx %arg7[%parallel_loop3A_457] : memref<4352xf32, #tpu.memory_space<vmem>>[vector<16xi32>], vector<16xf32>,
      %parallel_loop3A_461 = arith.mulf %parallel_loop3A_460, %parallel_loop3A_460 : vector<16xf32>
      %parallel_loop3A_462 = arith.addf %parallel_loop3A_65, %parallel_loop3A_461 : vector<16xf32>
      %parallel_loop3A_463 = arith.mulf %parallel_loop3A_66, %parallel_loop3A_460 : vector<16xf32>
      %parallel_loop3A_464 = arith.subf %parallel_loop3A_462, %parallel_loop3A_463 : vector<16xf32>
      %parallel_loop3A_465 = arith.select %parallel_loop3A_444, %parallel_loop3A_464, %parallel_loop3A_442 : vector<16xi1>, vector<16xf32>
      %parallel_loop3A_466 = arith.select %parallel_loop3A_444, %parallel_loop3A_443, %parallel_loop3A_464 : vector<16xi1>, vector<16xf32>
      %parallel_loop3A_467 = arith.cmpf ole, %parallel_loop3A_465, %parallel_loop3A_466 : vector<16xf32>
      %parallel_loop3A_468 = arith.select %parallel_loop3A_467, %parallel_loop3A_458, %parallel_loop3A_459 : vector<16xi1>, vector<16xi32>
      %parallel_loop3A_469 = arith.constant 12 : i32
      %parallel_loop3A_470 = vector.broadcast %parallel_loop3A_469 : i32 to vector<16xi32>
      %parallel_loop3A_471 = arith.constant 128 : i32
      %parallel_loop3A_472 = vector.broadcast %parallel_loop3A_471 : i32 to vector<16xi32>
      %parallel_loop3A_473 = arith.subi %parallel_loop3A_468, %parallel_loop3A_472 : vector<16xi32>
      tpu.vector_store_idx %arg9[%parallel_loop3A_63, %parallel_loop3A_470], %parallel_loop3A_473 : memref<512x16xi32, #tpu.memory_space<vmem>>[vector<16xi32>, vector<16xi32>], vector<16xi32>,
      %parallel_loop3A_474 = arith.constant 1 : i32
      %parallel_loop3A_475 = vector.broadcast %parallel_loop3A_474 : i32 to vector<16xi32>
      %parallel_loop3A_476 = arith.subi %parallel_loop3A_468, %parallel_loop3A_475 : vector<16xi32>
      %parallel_loop3A_477 = arith.constant 1 : i32
      %parallel_loop3A_478 = vector.broadcast %parallel_loop3A_477 : i32 to vector<16xi32>
      %parallel_loop3A_479 = arith.addi %parallel_loop3A_468, %parallel_loop3A_478 : vector<16xi32>
      %parallel_loop3A_480 = arith.select %parallel_loop3A_467, %parallel_loop3A_476, %parallel_loop3A_479 : vector<16xi1>, vector<16xi32>
      %parallel_loop3A_481 = arith.select %parallel_loop3A_467, %parallel_loop3A_480, %parallel_loop3A_458 : vector<16xi1>, vector<16xi32>
      %parallel_loop3A_482 = arith.select %parallel_loop3A_467, %parallel_loop3A_459, %parallel_loop3A_480 : vector<16xi1>, vector<16xi32>
      %parallel_loop3A_483 = tpu.vector_load_idx %arg7[%parallel_loop3A_480] : memref<4352xf32, #tpu.memory_space<vmem>>[vector<16xi32>], vector<16xf32>,
      %parallel_loop3A_484 = arith.mulf %parallel_loop3A_483, %parallel_loop3A_483 : vector<16xf32>
      %parallel_loop3A_485 = arith.addf %parallel_loop3A_65, %parallel_loop3A_484 : vector<16xf32>
      %parallel_loop3A_486 = arith.mulf %parallel_loop3A_66, %parallel_loop3A_483 : vector<16xf32>
      %parallel_loop3A_487 = arith.subf %parallel_loop3A_485, %parallel_loop3A_486 : vector<16xf32>
      %parallel_loop3A_488 = arith.select %parallel_loop3A_467, %parallel_loop3A_487, %parallel_loop3A_465 : vector<16xi1>, vector<16xf32>
      %parallel_loop3A_489 = arith.select %parallel_loop3A_467, %parallel_loop3A_466, %parallel_loop3A_487 : vector<16xi1>, vector<16xf32>
      %parallel_loop3A_490 = arith.cmpf ole, %parallel_loop3A_488, %parallel_loop3A_489 : vector<16xf32>
      %parallel_loop3A_491 = arith.select %parallel_loop3A_490, %parallel_loop3A_481, %parallel_loop3A_482 : vector<16xi1>, vector<16xi32>
      %parallel_loop3A_492 = arith.constant 13 : i32
      %parallel_loop3A_493 = vector.broadcast %parallel_loop3A_492 : i32 to vector<16xi32>
      %parallel_loop3A_494 = arith.constant 128 : i32
      %parallel_loop3A_495 = vector.broadcast %parallel_loop3A_494 : i32 to vector<16xi32>
      %parallel_loop3A_496 = arith.subi %parallel_loop3A_491, %parallel_loop3A_495 : vector<16xi32>
      tpu.vector_store_idx %arg9[%parallel_loop3A_63, %parallel_loop3A_493], %parallel_loop3A_496 : memref<512x16xi32, #tpu.memory_space<vmem>>[vector<16xi32>, vector<16xi32>], vector<16xi32>,
      %parallel_loop3A_497 = arith.constant 1 : i32
      %parallel_loop3A_498 = vector.broadcast %parallel_loop3A_497 : i32 to vector<16xi32>
      %parallel_loop3A_499 = arith.subi %parallel_loop3A_491, %parallel_loop3A_498 : vector<16xi32>
      %parallel_loop3A_500 = arith.constant 1 : i32
      %parallel_loop3A_501 = vector.broadcast %parallel_loop3A_500 : i32 to vector<16xi32>
      %parallel_loop3A_502 = arith.addi %parallel_loop3A_491, %parallel_loop3A_501 : vector<16xi32>
      %parallel_loop3A_503 = arith.select %parallel_loop3A_490, %parallel_loop3A_499, %parallel_loop3A_502 : vector<16xi1>, vector<16xi32>
      %parallel_loop3A_504 = arith.select %parallel_loop3A_490, %parallel_loop3A_503, %parallel_loop3A_481 : vector<16xi1>, vector<16xi32>
      %parallel_loop3A_505 = arith.select %parallel_loop3A_490, %parallel_loop3A_482, %parallel_loop3A_503 : vector<16xi1>, vector<16xi32>
      %parallel_loop3A_506 = tpu.vector_load_idx %arg7[%parallel_loop3A_503] : memref<4352xf32, #tpu.memory_space<vmem>>[vector<16xi32>], vector<16xf32>,
      %parallel_loop3A_507 = arith.mulf %parallel_loop3A_506, %parallel_loop3A_506 : vector<16xf32>
      %parallel_loop3A_508 = arith.addf %parallel_loop3A_65, %parallel_loop3A_507 : vector<16xf32>
      %parallel_loop3A_509 = arith.mulf %parallel_loop3A_66, %parallel_loop3A_506 : vector<16xf32>
      %parallel_loop3A_510 = arith.subf %parallel_loop3A_508, %parallel_loop3A_509 : vector<16xf32>
      %parallel_loop3A_511 = arith.select %parallel_loop3A_490, %parallel_loop3A_510, %parallel_loop3A_488 : vector<16xi1>, vector<16xf32>
      %parallel_loop3A_512 = arith.select %parallel_loop3A_490, %parallel_loop3A_489, %parallel_loop3A_510 : vector<16xi1>, vector<16xf32>
      %parallel_loop3A_513 = arith.cmpf ole, %parallel_loop3A_511, %parallel_loop3A_512 : vector<16xf32>
      %parallel_loop3A_514 = arith.select %parallel_loop3A_513, %parallel_loop3A_504, %parallel_loop3A_505 : vector<16xi1>, vector<16xi32>
      %parallel_loop3A_515 = arith.constant 14 : i32
      %parallel_loop3A_516 = vector.broadcast %parallel_loop3A_515 : i32 to vector<16xi32>
      %parallel_loop3A_517 = arith.constant 128 : i32
      %parallel_loop3A_518 = vector.broadcast %parallel_loop3A_517 : i32 to vector<16xi32>
      %parallel_loop3A_519 = arith.subi %parallel_loop3A_514, %parallel_loop3A_518 : vector<16xi32>
      tpu.vector_store_idx %arg9[%parallel_loop3A_63, %parallel_loop3A_516], %parallel_loop3A_519 : memref<512x16xi32, #tpu.memory_space<vmem>>[vector<16xi32>, vector<16xi32>], vector<16xi32>,
      %parallel_loop3A_520 = arith.constant 1 : i32
      %parallel_loop3A_521 = vector.broadcast %parallel_loop3A_520 : i32 to vector<16xi32>
      %parallel_loop3A_522 = arith.subi %parallel_loop3A_514, %parallel_loop3A_521 : vector<16xi32>
      %parallel_loop3A_523 = arith.constant 1 : i32
      %parallel_loop3A_524 = vector.broadcast %parallel_loop3A_523 : i32 to vector<16xi32>
      %parallel_loop3A_525 = arith.addi %parallel_loop3A_514, %parallel_loop3A_524 : vector<16xi32>
      %parallel_loop3A_526 = arith.select %parallel_loop3A_513, %parallel_loop3A_522, %parallel_loop3A_525 : vector<16xi1>, vector<16xi32>
      %parallel_loop3A_527 = arith.select %parallel_loop3A_513, %parallel_loop3A_526, %parallel_loop3A_504 : vector<16xi1>, vector<16xi32>
      %parallel_loop3A_528 = arith.select %parallel_loop3A_513, %parallel_loop3A_505, %parallel_loop3A_526 : vector<16xi1>, vector<16xi32>
      %parallel_loop3A_529 = tpu.vector_load_idx %arg7[%parallel_loop3A_526] : memref<4352xf32, #tpu.memory_space<vmem>>[vector<16xi32>], vector<16xf32>,
      %parallel_loop3A_530 = arith.mulf %parallel_loop3A_529, %parallel_loop3A_529 : vector<16xf32>
      %parallel_loop3A_531 = arith.addf %parallel_loop3A_65, %parallel_loop3A_530 : vector<16xf32>
      %parallel_loop3A_532 = arith.mulf %parallel_loop3A_66, %parallel_loop3A_529 : vector<16xf32>
      %parallel_loop3A_533 = arith.subf %parallel_loop3A_531, %parallel_loop3A_532 : vector<16xf32>
      %parallel_loop3A_534 = arith.select %parallel_loop3A_513, %parallel_loop3A_533, %parallel_loop3A_511 : vector<16xi1>, vector<16xf32>
      %parallel_loop3A_535 = arith.select %parallel_loop3A_513, %parallel_loop3A_512, %parallel_loop3A_533 : vector<16xi1>, vector<16xf32>
      %parallel_loop3A_536 = arith.cmpf ole, %parallel_loop3A_534, %parallel_loop3A_535 : vector<16xf32>
      %parallel_loop3A_537 = arith.select %parallel_loop3A_536, %parallel_loop3A_527, %parallel_loop3A_528 : vector<16xi1>, vector<16xi32>
      %parallel_loop3A_538 = arith.constant 15 : i32
      %parallel_loop3A_539 = vector.broadcast %parallel_loop3A_538 : i32 to vector<16xi32>
      %parallel_loop3A_540 = arith.constant 128 : i32
      %parallel_loop3A_541 = vector.broadcast %parallel_loop3A_540 : i32 to vector<16xi32>
      %parallel_loop3A_542 = arith.subi %parallel_loop3A_537, %parallel_loop3A_541 : vector<16xi32>
      tpu.vector_store_idx %arg9[%parallel_loop3A_63, %parallel_loop3A_539], %parallel_loop3A_542 : memref<512x16xi32, #tpu.memory_space<vmem>>[vector<16xi32>, vector<16xi32>], vector<16xi32>,
      scf.yield %parallel_loop3A_57 : i32
    } {sc.loop_unroll_factor = 8 : i64, sc.parallel_access}
    "tpu.region"() ({
      %run_scoped3A = tpu.sem_alloc : memref<!tpu.dma_semaphore, #tpu.memory_space<semaphore_mem>>
      %dma_start3A = arith.constant 0 : i32
      %dma_start3A_56 = tpu.memref_slice %arg5[%select_n3A, %mul3A_32, %dma_start3A] : memref<16x1024x16xi32, #tpu.memory_space<hbm>> -> memref<1x512x16xi32, #tpu.memory_space<hbm>>
      %dma_start3A_57 = tpu.memref_squeeze %dma_start3A_56 : memref<1x512x16xi32, #tpu.memory_space<hbm>> -> memref<512x16xi32, #tpu.memory_space<hbm>>
      %dma_start3A_58 = arith.constant 0 : i32
      %dma_start3A_59 = tpu.memref_slice %arg5[%select_n3A, %mul3A_32, %dma_start3A_58] : memref<16x1024x16xi32, #tpu.memory_space<hbm>> -> memref<1x512x16xi32, #tpu.memory_space<hbm>>
      %dma_start3A_60 = tpu.memref_squeeze %dma_start3A_59 : memref<1x512x16xi32, #tpu.memory_space<hbm>> -> memref<512x16xi32, #tpu.memory_space<hbm>>
      tpu.enqueue_dma source(%arg9 : memref<512x16xi32, #tpu.memory_space<vmem>>) target(%dma_start3A_60 : memref<512x16xi32, #tpu.memory_space<hbm>>) target_semaphore(%run_scoped3A : memref<!tpu.dma_semaphore, #tpu.memory_space<semaphore_mem>>)
      %dma_wait3A = arith.constant 0 : i32
      %dma_wait3A_61 = tpu.memref_slice %arg5[%select_n3A, %mul3A_32, %dma_wait3A] : memref<16x1024x16xi32, #tpu.memory_space<hbm>> -> memref<1x512x16xi32, #tpu.memory_space<hbm>>
      %dma_wait3A_62 = tpu.memref_squeeze %dma_wait3A_61 : memref<1x512x16xi32, #tpu.memory_space<hbm>> -> memref<512x16xi32, #tpu.memory_space<hbm>>
      %dma_wait3A_63 = arith.constant 0 : i32
      %dma_wait3A_64 = tpu.memref_slice %arg5[%select_n3A, %mul3A_32, %dma_wait3A_63] : memref<16x1024x16xi32, #tpu.memory_space<hbm>> -> memref<1x512x16xi32, #tpu.memory_space<hbm>>
      %dma_wait3A_65 = tpu.memref_squeeze %dma_wait3A_64 : memref<1x512x16xi32, #tpu.memory_space<hbm>> -> memref<512x16xi32, #tpu.memory_space<hbm>>
      tpu.wait_dma2 semaphore(%run_scoped3A : memref<!tpu.dma_semaphore, #tpu.memory_space<semaphore_mem>>) src(%arg9 : memref<512x16xi32, #tpu.memory_space<vmem>>) dst(%dma_wait3A_65 : memref<512x16xi32, #tpu.memory_space<hbm>>)
      tpu.yield
    }) : () -> ()
    return
  }
}

</mosaic_0001>

<sc_bundles>
// kernel: kernel.3.cloned.1.call-start
scs
__scs_entry_jumppad:
0x0: {  	(pc) =	sbr.rel $0x88, $3  }
0x1: {  	(tag) =	ssettag $0x0;
	lr =	simm.s32 $0x1  }
0x2: {  	[smem:$0x3F9E] =	sst lr;
	_ =	strace $0xD0000000  }
0x3: {  	_ = 	snop  }
0x4: {  	_ = 	snop  }
0x5: {  	_ = 	snop  }
0x6: {  	_ = 	snop  }
0x7: {  	_ = 	snop  }
__scs_overlays_trampoline_lowered:
0x8: {  	[smem:$0x3FAD] =	sst s0  }
0x9: {  	[smem:$0x3FAE] =	sst s1  }
0xa: {  	[smem:$0x3FAF] =	sst s2  }
0xb: {  	[smem:$0x3FB0] =	sst s3  }
0xc: {  	[smem:$0x3FB1] =	sst s4  }
0xd: {  	[smem:$0x3FB2] =	sst s5  }
0xe: {  	[smem:$0x3FB3] =	sst s6  }
0xf: {  	[smem:$0x3FB4] =	sst s7  }
0x10: {  	[smem:$0x3FB5] =	sst s8  }
0x11: {  	[smem:$0x3FB6] =	sst s9;
	s0 =	simm.s32 @!p0 $0x0  }
0x12: {  	s1 =	sld [smem:$0x3F9C];
	s0 =	simm.s32 @p0 $0x1  }
0x13: {  	[smem:$0x3FB7] =	sst s0;
	s0 =	simm.s32 @!p1 $0x0  }
0x14: {  	s2 =	sld [smem:$0x3F9B];
	s0 =	simm.s32 @p1 $0x1  }
0x15: {  	[smem:$0x3FB8] =	sst s0;
	s0 =	simm.s32 @!p2 $0x0  }
0x16: {  	s3 =	sld [smem:$0x3FDB];
	s0 =	simm.s32 @p2 $0x1  }
0x17: {  	s4 =	simm.s32 $0x1BF5;
	[smem:$0x3FBA] =	sst s0  }
0x18: {  	s0 =	sld [smem:$0x3F9D];
	_ =	swait.ge [sflag:s4], $0x0  }
0x19: {  	s7 =	sld [smem:$0x3F9E]  }
0x1a: {  	s8 =	sadd.s32 $0xFFFFE003, lr  }
0x1b: {  	s9 =	sadd.s32 $0xFFFFFEF7, lr;
	s5 =	simm.s32 $0xFFFFFFFF;
	p2 =	slt.u32 s8, $0xFFFFF086  }
0x1c: {  	p1 =	slt.u32 s9, $0xF7A;
	s5 =	simm.s32 @!p2 $0x0  }
0x1d: {  	s5 =	simm.s32 @p1 $0x1;
	p0 =	seq.s32 s7, s2  }
0x1e: {  	s7 =	smul.u32 @!p0 $0xF7A, s2;
	p2 =	seq.s32 @!p0 s5, $0x0  }
0x1f: {  	s9 =	smul.u32 $0xF7A, s1;
	s8 =	simm.s32 @!p0 $0x1BF5;
	p2 =	por !p2, p0  }
0x20: {  	[sflag:s8] =	ssyncset.s32 @!p0 $0xFFFFF086;
	s6 =	sadd.s32 @!p0 s3, s7;
	s7 =	simm.s32 @!p0 $0x108  }
0x21: {  	s3 =	sadd.s32 s3, s9;
	s6 =	sadd.s32 @!p0 $0x88, s6;
	s7 =	simm.s32 @p2 $0x1082  }
0x22: {  	[simem:s7], [sflag:s8] =	dma.local @!p0 [hbm:s6], $0xF7A  }
0x23: {  	s9 =	sor.u32 $0xD0000000, s2;
	s6 =	simm.s32 $0x108;
	_ =	swait.ge @!p0 [sflag:s8], $0x0  }
0x24: {  	s3 =	sadd.s32 $0x88, s3;
	s6 =	simm.s32 @!p1 $0x1082;
	[sflag:s4] =	ssyncset.s32 $0xFFFFF086  }
0x25: {  	[simem:s6], [sflag:s4] =	dma.local [hbm:s3], $0xF7A  }
0x26: {  	[smem:$0x3F9E] =	sst s1;
	(tag) =	ssettag s2;
	_ =	strace s9  }
0x27: {  	s1 =	sld [smem:$0x3FAE]  }
0x28: {  	s2 =	sld [smem:$0x3FAF]  }
0x29: {  	s4 =	sld [smem:$0x3FB1]  }
0x2a: {  	p0 =	seq.s32 s5, $0x0;
	s5 =	sld [smem:$0x3FB2]  }
0x2b: {  	s6 =	sld [smem:$0x3FB3]  }
0x2c: {  	s7 =	sld [smem:$0x3FB4]  }
0x2d: {  	s3 =	simm.s32 $0x108;
	s8 =	sld [smem:$0x3FB5]  }
0x2e: {  	s3 =	simm.s32 @!p0 $0x1082;
	s9 =	sld [smem:$0x3FB6]  }
0x2f: {  	lr =	sadd.s32 s0, s3;
	s0 =	sld [smem:$0x3FAD]  }
0x30: {  	s3 =	sld [smem:$0x3FB0]  }
0x31: {  	[smem:$0x3FB9] =	sst s10  }
0x32: {  	s10 =	sld [smem:$0x3FB7];
	_ =	sdelay $0x3  }
0x33: {  	p0 =	seq.s32 s10, $0x1;
	s10 =	sld [smem:$0x3FB9];
	_ =	sdelay $0x3  }
0x34: {  	[smem:$0x3FB9] =	sst s10  }
0x35: {  	s10 =	sld [smem:$0x3FB8];
	_ =	sdelay $0x3  }
0x36: {  	p1 =	seq.s32 s10, $0x1;
	s10 =	sld [smem:$0x3FB9];
	_ =	sdelay $0x3  }
0x37: {  	[smem:$0x3FB9] =	sst s10  }
0x38: {  	s10 =	sld [smem:$0x3FBA]  }
0x39: {  	_ = 	snop;
	(pc) =	sbr.ind lr, $3  }
0x3a: {  	_ = 	snop  }
0x3b: {  	_ = 	snop  }
0x3c: {  	p2 =	seq.s32 s10, $0x1;
	s10 =	sld [smem:$0x3FB9]  }
0x3d: {  	_ =	shalt  }
0x3e: {  	_ =	shalt  }
0x3f: {  	_ =	shalt  }
0x40: {  	_ =	shalt  }
0x41: {  	_ =	shalt  }
0x42: {  	_ =	shalt  }
0x43: {  	_ =	shalt  }
0x44: {  	_ =	shalt  }
0x45: {  	_ =	shalt  }
0x46: {  	_ =	shalt  }
0x47: {  	_ =	shalt  }
0x48: {  	_ =	shalt  }
0x49: {  	_ =	shalt  }
0x4a: {  	_ =	shalt  }
0x4b: {  	_ =	shalt  }
0x4c: {  	_ =	shalt  }
0x4d: {  	_ =	shalt  }
0x4e: {  	_ =	shalt  }
0x4f: {  	_ =	shalt  }
0x50: {  	_ =	shalt  }
0x51: {  	_ =	shalt  }
0x52: {  	_ =	shalt  }
0x53: {  	_ =	shalt  }
0x54: {  	_ =	shalt  }
0x55: {  	_ =	shalt  }
0x56: {  	_ =	shalt  }
0x57: {  	_ =	shalt  }
0x58: {  	_ =	shalt  }
0x59: {  	_ =	shalt  }
0x5a: {  	_ =	shalt  }
0x5b: {  	_ =	shalt  }
0x5c: {  	_ =	shalt  }
0x5d: {  	_ =	shalt  }
0x5e: {  	_ =	shalt  }
0x5f: {  	_ =	shalt  }
0x60: {  	_ =	shalt  }
0x61: {  	_ =	shalt  }
0x62: {  	_ =	shalt  }
0x63: {  	_ =	shalt  }
0x64: {  	_ =	shalt  }
0x65: {  	_ =	shalt  }
0x66: {  	_ =	shalt  }
0x67: {  	_ =	shalt  }
0x68: {  	_ =	shalt  }
0x69: {  	_ =	shalt  }
0x6a: {  	_ =	shalt  }
0x6b: {  	_ =	shalt  }
0x6c: {  	_ =	shalt  }
0x6d: {  	_ =	shalt  }
0x6e: {  	_ =	shalt  }
0x6f: {  	_ =	shalt  }
0x70: {  	_ =	shalt  }
0x71: {  	_ =	shalt  }
0x72: {  	_ =	shalt  }
0x73: {  	_ =	shalt  }
0x74: {  	_ =	shalt  }
0x75: {  	_ =	shalt  }
0x76: {  	_ =	shalt  }
0x77: {  	_ =	shalt  }
0x78: {  	_ =	shalt  }
0x79: {  	_ =	shalt  }
0x7a: {  	_ =	shalt  }
0x7b: {  	_ =	shalt  }
0x7c: {  	_ =	shalt  }
0x7d: {  	_ =	shalt  }
0x7e: {  	_ =	shalt  }
0x7f: {  	_ =	shalt  }
0x80: {  	_ =	shalt  }
0x81: {  	_ =	shalt  }
0x82: {  	_ =	shalt  }
0x83: {  	_ =	shalt  }
0x84: {  	_ =	shalt  }
0x85: {  	_ =	shalt  }
0x86: {  	_ =	shalt  }
0x87: {  	_ =	shalt  }
.Lfunc_end0:
.L_simem_size_0:
called_computation_lowered:
.L_overlay_start_0:
0x88: {  	s2 =	sld [smem:$0x3FD9]  }
0x89: {  	s3 =	sld [smem:$0x3FFE];
	_ =	sdelay $0x1  }
0x8a: {  	s1 =	srdreg.scid  }
0x8b: {  	s0 =	sand.u32 $0x1, s1  }
0x8c: {  	s17 =	sshll.u32 s0, $0xA;
	s2 =	sadd.s32 s3, s2  }
0x8d: {  	s2 =	sadd.s32 s2, s17  }
0x8e: {  	[smem:$0x3FC5] =	sst s2  }
0x8f: {  	_ = 	snop  }
0x90: {  	s2 =	sld [smem:$0x3FD0];
	(tm) =	ssettm $0x1  }
0x91: {  	s18 =	sld [smem:$0x3FFB];
	_ =	sdelay $0x3  }
0x92: {  	_ =	strace s18  }
0x93: {  	s3 =	sld [smem:$0x3FFC];
	_ =	sdelay $0x3  }
0x94: {  	_ =	strace s3  }
0x95: {  	s3 =	sld [smem:$0x3FFD];
	_ =	sdelay $0x3  }
0x96: {  	_ =	strace s3  }
0x97: {  	_ =	strace $0x8FFFFFFF  }
0x98: {  	s19 =	sld [smem:$0x3FDB];
	_ =	sdelay $0x1  }
0x99: {  	s4 =	simm.s32 $_scs_section_size  }
0x9a: {  	s5 =	simm.s32 $_size__tile_overlayer_lowered;
	s6 =	simm.s32 $_tile_overlayer_lowered  }
0x9b: {  	s22 =	simm.s32 $0x1BFF;
	s21 =	sshll.u32 s6, $0x1;
	s3 =	sadd.s32 s4, s19  }
0x9c: {  	s7 =	simm.s32 $0x0;
	s20 =	sshll.u32 s5, $0x1;
	s5 =	sadd.s32 s21, s3  }
0x9d: {  	[timem:s7], [sflag:s22] =	dma.local [hbm:s5], s20  }
0x9e: {  	_ =	swait.ge [sflag:s22], s20  }
0x9f: {  	s4 =	ssub.s32 $0x0, s20;
	[sflag:s22] =	ssyncset.done $0x0  }
0xa0: {  	[sflag:s22] =	ssyncadd.s32 s4;
	_ =	sdelay $0x1  }
0xa1: {  	s23 =	simm.s32 $0x1B8B  }
0xa2: {  	_ =	swait.ge [sflag:s23], $0x1  }
0xa3: {  	[sflag:s23] =	ssyncset.done $0x0  }
0xa4: {  	s25 =	simm.s32 $0x1B8E;
	s24 =	sld [smem:$0x3FFE];
	[sflag:s23] =	ssyncadd.s32 $0xFFFFFFFF  }
0xa5: {  	s26 =	simm.s32 $execute0_lowered;
	[smem:$0x3FD2] =	sst s25  }
0xa6: {  	s5 =	sshll.u32 s26, $0x1;
	_ =	strace $0x80000046;
	[dreg:$0x1] =	wrdreg $0xFFFFFFFF  }
0xa7: {  	s28 =	simm.s32 $_size_execute0_lowered;
	s3 =	sadd.s32 s3, s5;
	[dreg:$0x0] =	wrdreg $0x0  }
0xa8: {  	s5 =	sshll.u32 s28, $0x1;
	[dreg:$0x2] =	wrdreg s3  }
0xa9: {  	[dreg:$0x3] =	wrdreg s5  }
0xaa: {  	[dreg:$0x4] =	wrdreg $0xC0  }
0xab: {  	_ =	task [dreg:s7], $0x5FFFF  }
0xac: {  	[dreg:$0x1] =	wrdreg $0xFFFFFFFF  }
0xad: {  	[dreg:$0x0] =	wrdreg $0x60  }
0xae: {  	[dreg:$0x2] =	wrdreg s24  }
0xaf: {  	[dreg:$0x3] =	wrdreg s2  }
0xb0: {  	[dreg:$0x4] =	wrdreg $0x9  }
0xb1: {  	_ =	task.clear_ibuf [dreg:s7], $0x5FFFF;
	_ =	strace $0x90000046  }
0xb2: {  	s29 =	simm.s32 $0x9;
	_ =	strace $0x80000048  }
0xb3: {  	_ =	swait.ge [sflag:s29], $0x1  }
0xb4: {  	[sflag:s29] =	ssyncadd.s32 $0xFFFFFFFF  }
0xb5: {  	_ =	strace $0x90000048  }
0xb6: {  	_ =	sfence  }
0xb7: {  	s30 =	sld [smem:$0x0];
	_ =	sdelay $0x2  }
0xb8: {  	s31 =	sshll.u32 s1, $0xD;
	s1 =	sshrl.u32 s1, $0x2  }
0xb9: {  	s3 =	sand.u32 $0x4000, s31;
	s1 =	sadd.s32 s1, s30  }
0xba: {  	s0 =	sor.u32 s3, s0;
	s1 =	sshll.u32 s1, $0x11  }
0xbb: {  	s0 =	sor.u32 s1, s0  }
0xbc: {  	s0 =	sadd.s32 $0x8F2B, s0  }
0xbd: {  	[sflag:s0] =	ssyncadd.remote.s32 $0x1  }
0xbe: {  	_ =	sfence.sel $0xFFFF  }
0xbf: {  	[dreg:$0x0] =	wrdreg $0xFFFFFFFF;
	(pc) =	sbr.abs _section_cstart, $3  }
0xc0: {  	[dreg:$0x1] =	wrdreg $0xFFFFFFFF  }
0xc1: {  	_ =	task.clear_ibuf [dreg:s7], $0x2FFFF;
	_ =	strace $0x9FFFFFFF  }
0xc2: {  	(tm) =	ssettm $0x7FFFFFFF  }
0xc3: {  	_ =	shalt  }
tec
execute0_lowered:
.L_overlay_start_1:
0x0: {  	(tag) =	ssettag $0x1  }
0x1: {  	s1 =	srdreg.scid  }
0x2: {  	s0 =	stileid.u32;
	s2 =	rddreg [dreg:$0x0];
	s5 =	sand.u32 $0x1, s1  }
0x3: {  	s6 =	rddreg [dreg:$0x1];
	s3 =	simm.s32 $0x0;
	s1 =	sor.u32 s5, s0  }
0x4: {  	s13 =	simm.s32 $0x200;
	p1 =	seq.s32 s5, $0x1;
	p0 =	seq.s32 s1, $0x0  }
0x5: {  	s14 =	simm.s32 $0x1380;
	s15 =	simm.s32 $0x0;
	p0 =	por !p0, !p1  }
0x6: {  	s4 =	sshll.u32 s5, $0xC;
	s1 =	simm.s32 $0x1;
	p0 =	por !p0, !p0  }
0x7: {  	s12 =	sshll.u32 s5, $0x10;
	s5 =	ssub.s32 $0x2, s5;
	s1 =	simm.s32 @!p0 $0x0  }
0x8: {  	[smem:$0x7FF] =	sst s3;
	s31 =	sshrl.u32 s5, $0x1;
	s7 =	ssub.s32 s0, s1  }
0x9: {  	s1 =	rddreg [dreg:$0x2];
	_ =	strace $0x80000047;
	s8 =	sshrl.u32 s7, $0x3  }
0xa: {  	s9 =	sshll.u32 s7, $0x7;
	s11 =	sshll.u32 s7, $0x11;
	s10 =	sshll.u32 s8, $0xD  }
0xb: {  	s9 =	sand.u32 $0x380, s9;
	s11 =	sor.u32 s12, s11;
	s8 =	sshll.u32 s8, $0xF  }
0xc: {  	s12 =	simm.s32 $0x1300;
	s10 =	sor.u32 s4, s10;
	s4 =	simm.s32 $0x1  }
0xd: {  	s11 =	sshrl.u32 s11, $0x3;
	s8 =	sor.u32 s9, s8;
	s10 =	sor.u32 s9, s10  }
0xe: {  	v2 =	vlaneseq.u32;
	v0 =	vmov s7;
	s30 =	sadd.s32 s11, s2;
	s8 =	sshrl.u32 s8, $0x3;
	s11 =	ssub.s32 s5, s31  }
0xf: {  	[tilespmem:$0x1FFD0] =	vst v0;
	v0 =	vor.u32 $0x80, v2;
	s9 =	simm.s32 $0x400;
	s10 =	sshrl.u32 s10, $0x3;
	s5 =	sadd.s32 s6, s8  }
0x10: {  	[tilespmem:$0x1FFE0] =	vst v0;
	v0 =	vor.u32 $0x90, v2;
	s7 =	sadd.s32 $0xA00, s30;
	s8 =	smax.u32 s11, $0x1;
	s10 =	sadd.s32 s10, s2  }
0x11: {  	v7 =	vimm.s32 $0x80;
	v1 =	vimm.s32 $0x0;
	[tilespmem:$0x1FFF0] =	vst v0;
	s11 =	simm.s32 $0x280;
	s6 =	sadd.s32 $0x200, s10;
	s10 =	simm.s32 $0x80  }
.LBB2_1:
0x12: {  	[tilespmem:s11], [sflag:$0x1] =	stream.strided.gather [hbm4b:s5+s10], $0x1000, s9, s10, $0x38;
	[tilespmem:$0x11380] =	vst v63  }
0x13: {  	_ =	swait.ge [sflag:s4], $0x1000  }
0x14: {  	[sflag:s4] =	ssyncset.done $0x0  }
0x15: {  	[sflag:s4] =	ssyncadd.s32 $0xFFFFF000  }
0x16: {  	[tilespmem:s3], [sflag:$0x1] =	stream.strided.gather [hbm4b:s6+s10], $0x200, s9, s10, $0x38;
	[tilespmem:$0x11380] =	vst v63  }
0x17: {  	_ =	swait.ge [sflag:s4], $0x200  }
0x18: {  	[sflag:s4] =	ssyncset.done $0x0  }
0x19: {  	[sflag:s4] =	ssyncadd.s32 $0xFFFFFE00  }
0x1a: {  	[tilespmem:s12], [sflag:$0x1] =	stream.linear.gather [hbm4b:s2+s3], $0x80, $0x38;
	[tilespmem:$0x11380] =	vst v63  }
0x1b: {  	_ =	swait.ge [sflag:s4], $0x80  }
0x1c: {  	v0 =	vld [tilespmem:$0x1FFD0];
	_ =	sdelay $0x5  }
0x1d: {  	[sflag:s4] =	ssyncset.done $0x0  }
0x1e: {  	[sflag:s4] =	ssyncadd.s32 $0xFFFFFF80  }
0x1f: {  	v9 =	vld.idx.msk [tilespmem:v0+s12+$0x0], $0xffff  }
0x20: {  	v0 =	vld [tilespmem:$0x1FFE0];
	_ =	sdelay $0x4  }
0x21: {  	v10 =	vadd.s32 v0, v9;
	v0 =	vld [tilespmem:$0x1FFF0];
	_ =	sdelay $0x4  }
0x22: {  	v11 =	vadd.s32 v0, v9  }
0x23: {  	v3 =	vadd.s32 $0x80, v9  }
0x24: {  	[tilespmem:$0x1FFC0] =	vst v3;
	v0 =	vimm.f32 $-1.000000000e+09  }
0x25: {  	[tilespmem:$0x270] =	vst v0;
	v0 =	vimm.f32 $1.000000000e+09  }
0x26: {  	[tilespmem:v10+s13+$0x0] =	vst.idx.msk $0xffff, v0  }
0x27: {  	s16 =	simm.s32 $0xFFFFFFF8;
	s17 =	simm.s32 $0x70;
	[tilespmem:v11+s13+$0x0] =	vst.idx.msk $0xffff, v0  }
.LBB2_2:
0x28: {  	s18 =	sadd.s32 $0xFFFFFF90, s17;
	v0 =	vimm.s32 $0x87F  }
0x29: {  	v10 =	vor.u32 s18, v2;
	_ =	sdelay $0x3  }
0x2a: {  	v18 =	vld.idx.msk [tilespmem:v0+s13+$0x0], $0xffff  }
0x2b: {  	v12 =	vld.idx.msk [tilespmem:v10+s3+$0x0], $0xffff;
	_ =	sdelay $0x4  }
0x2c: {  	vm0 =	vlt.f32 v18, v12  }
0x2d: {  	v11 =	vsel vm0, $0x880, v7  }
0x2e: {  	v13 =	vadd.s32 $0x3FF, v11;
	_ =	sdelay $0x4  }
0x2f: {  	v13 =	vld.idx.msk [tilespmem:v13+s13+$0x0], $0xffff;
	_ =	sdelay $0x4  }
0x30: {  	v58 =	vor.u32 $0x400, v11;
	vm8 =	vlt.f32 v13, v12  }
0x31: {  	v11 =	vsel vm8, v58, v11  }
0x32: {  	v13 =	vadd.s32 $0x1FF, v11;
	_ =	sdelay $0x4  }
0x33: {  	v13 =	vld.idx.msk [tilespmem:v13+s13+$0x0], $0xffff;
	_ =	sdelay $0x4  }
0x34: {  	v59 =	vor.u32 $0x200, v11;
	vm9 =	vlt.f32 v13, v12  }
0x35: {  	v11 =	vsel vm9, v59, v11  }
0x36: {  	v13 =	vadd.s32 $0xFF, v11;
	_ =	sdelay $0x4  }
0x37: {  	v13 =	vld.idx.msk [tilespmem:v13+s13+$0x0], $0xffff;
	_ =	sdelay $0x4  }
0x38: {  	v60 =	vor.u32 $0x100, v11;
	vm10 =	vlt.f32 v13, v12  }
0x39: {  	v11 =	vsel vm10, v60, v11  }
0x3a: {  	v13 =	vadd.s32 $0x7F, v11;
	_ =	sdelay $0x4  }
0x3b: {  	v13 =	vld.idx.msk [tilespmem:v13+s13+$0x0], $0xffff;
	_ =	sdelay $0x4  }
0x3c: {  	v61 =	vadd.s32 $0x80, v11;
	vm11 =	vlt.f32 v13, v12  }
0x3d: {  	v11 =	vsel vm11, v61, v11  }
0x3e: {  	v13 =	vadd.s32 $0x3F, v11;
	_ =	sdelay $0x4  }
0x3f: {  	v13 =	vld.idx.msk [tilespmem:v13+s13+$0x0], $0xffff;
	_ =	sdelay $0x4  }
0x40: {  	s25 =	sadd.s32 $0xFFFFFFA0, s17;
	v62 =	vadd.s32 $0x40, v11;
	vm12 =	vlt.f32 v13, v12  }
0x41: {  	v14 =	vsel vm12, v62, v11;
	v11 =	vor.u32 s25, v2  }
0x42: {  	v13 =	vadd.s32 $0x1F, v14;
	_ =	sdelay $0x3  }
0x43: {  	v63 =	vld.idx.msk [tilespmem:v11+s3+$0x0], $0xffff  }
0x44: {  	v15 =	vld.idx.msk [tilespmem:v13+s13+$0x0], $0xffff;
	_ =	sdelay $0x3  }
0x45: {  	vm14 =	vlt.f32 v18, v63  }
0x46: {  	v9 =	vadd.s32 $0x20, v14;
	vm13 =	vlt.f32 v15, v12;
	v16 =	vsel vm14, $0x880, v7  }
0x47: {  	v14 =	vsel vm13, v9, v14;
	v17 =	vadd.s32 $0x3FF, v16  }
0x48: {  	v15 =	vadd.s32 $0xF, v14;
	_ =	sdelay $0x3  }
0x49: {  	v17 =	vld.idx.msk [tilespmem:v17+s13+$0x0], $0xffff  }
0x4a: {  	v15 =	vld.idx.msk [tilespmem:v15+s13+$0x0], $0xffff;
	_ =	sdelay $0x3  }
0x4b: {  	v20 =	vor.u32 $0x400, v16;
	vm4 =	vlt.f32 v17, v63  }
0x4c: {  	vm15 =	vlt.f32 v15, v12;
	v15 =	vsel vm4, v20, v16  }
0x4d: {  	v19 =	vadd.s32 $0x10, v14;
	v16 =	vadd.s32 $0x1FF, v15  }
0x4e: {  	v14 =	vsel vm15, v19, v14  }
0x4f: {  	v21 =	vadd.s32 $0x7, v14;
	_ =	sdelay $0x2  }
0x50: {  	v16 =	vld.idx.msk [tilespmem:v16+s13+$0x0], $0xffff;
	_ =	sdelay $0x1  }
0x51: {  	v17 =	vld.idx.msk [tilespmem:v21+s13+$0x0], $0xffff;
	_ =	sdelay $0x2  }
0x52: {  	v23 =	vor.u32 $0x200, v15;
	vm6 =	vlt.f32 v16, v63  }
0x53: {  	v15 =	vsel vm6, v23, v15  }
0x54: {  	v22 =	vadd.s32 $0x8, v14;
	vm5 =	vlt.f32 v17, v12;
	v16 =	vadd.s32 $0xFF, v15  }
0x55: {  	v14 =	vsel vm5, v22, v14  }
0x56: {  	v17 =	vadd.s32 $0x3, v14;
	_ =	sdelay $0x2  }
0x57: {  	v16 =	vld.idx.msk [tilespmem:v16+s13+$0x0], $0xffff;
	_ =	sdelay $0x1  }
0x58: {  	v17 =	vld.idx.msk [tilespmem:v17+s13+$0x0], $0xffff;
	_ =	sdelay $0x2  }
0x59: {  	v25 =	vor.u32 $0x100, v15;
	vm8 =	vlt.f32 v16, v63  }
0x5a: {  	v15 =	vsel vm8, v25, v15  }
0x5b: {  	v24 =	vadd.s32 $0x4, v14;
	vm7 =	vlt.f32 v17, v12;
	v16 =	vadd.s32 $0x7F, v15  }
0x5c: {  	v14 =	vsel vm7, v24, v14  }
0x5d: {  	v17 =	vadd.s32 $0x1, v14;
	_ =	sdelay $0x2  }
0x5e: {  	v16 =	vld.idx.msk [tilespmem:v16+s13+$0x0], $0xffff;
	_ =	sdelay $0x1  }
0x5f: {  	v17 =	vld.idx.msk [tilespmem:v17+s13+$0x0], $0xffff;
	_ =	sdelay $0x2  }
0x60: {  	v27 =	vadd.s32 $0x80, v15;
	vm1 =	vlt.f32 v16, v63  }
0x61: {  	v15 =	vsel vm1, v27, v15  }
0x62: {  	v26 =	vadd.s32 $0x2, v14;
	vm9 =	vlt.f32 v17, v12;
	v16 =	vadd.s32 $0x3F, v15  }
0x63: {  	v14 =	vsel vm9, v26, v14;
	_ =	sdelay $0x3  }
0x64: {  	v16 =	vld.idx.msk [tilespmem:v16+s13+$0x0], $0xffff  }
0x65: {  	v17 =	vld.idx.msk [tilespmem:v14+s13+$0x0], $0xffff;
	_ =	sdelay $0x2  }
0x66: {  	v6 =	vld [tilespmem:$0x1FFC0]  }
0x67: {  	v28 =	vadd.s32 $0x40, v15;
	vm11 =	vlt.f32 v16, v63  }
0x68: {  	vm10 =	vlt.f32 v17, v12;
	v15 =	vsel vm11, v28, v15  }
0x69: {  	v17 =	vsel vm10, $0x1, v1;
	v16 =	vadd.s32 $0x1F, v15  }
0x6a: {  	v14 =	vadd.s32 v17, v14  }
0x6b: {  	vm12 =	vlt.s32 v14, v6  }
0x6c: {  	v14 =	vsel vm12, v14, v6  }
0x6d: {  	v29 =	vadd.s32 $0xFFFFFFFF, v14  }
0x6e: {  	v16 =	vld.idx.msk [tilespmem:v16+s13+$0x0], $0xffff;
	_ =	sdelay $0x2  }
0x6f: {  	v22 =	vld.idx.msk [tilespmem:v14+s13+$0x0], $0xffff  }
0x70: {  	v21 =	vld.idx.msk [tilespmem:v29+s13+$0x0], $0xffff  }
0x71: {  	v30 =	vadd.s32 $0x20, v15;
	vm13 =	vlt.f32 v16, v63  }
0x72: {  	v15 =	vsel vm13, v30, v15  }
0x73: {  	v23 =	vadd.s32 $0xF, v15  }
0x74: {  	v20 =	vmul.f32 v12, v12;
	v19 =	vadd.f32 v12, v12  }
0x75: {  	v32 =	vmul.f32 v22, v22;
	v31 =	vmul.f32 v21, v21  }
0x76: {  	v22 =	vmul.f32 v22, v19  }
0x77: {  	v21 =	vmul.f32 v21, v19;
	v12 =	vadd.f32 v32, v20;
	v16 =	vadd.f32 v31, v20  }
0x78: {  	v33 =	vld.idx.msk [tilespmem:v23+s13+$0x0], $0xffff  }
0x79: {  	v12 =	vsub.f32 v12, v22;
	v16 =	vsub.f32 v16, v21;
	_ =	sdelay $0x1  }
0x7a: {  	vm14 =	vle.f32 v16, v12  }
0x7b: {  	v0 =	vshll.u32 v10, $0x7;
	v36 =	vadd.s32 $0x10, v15;
	v34 =	vsel vm14, v29, v14  }
0x7c: {  	v35 =	vadd.s32 $0xFFFFFFFF, v34;
	v24 =	vadd.s32 $0x1, v34;
	vm15 =	vlt.f32 v33, v63  }
0x7d: {  	v25 =	vsel vm14, v35, v24;
	v15 =	vsel vm15, v36, v15  }
0x7e: {  	v21 =	vadd.s32 $0x7, v15;
	_ =	sdelay $0x1  }
0x7f: {  	v22 =	vadd.s32 $0xFFFFFF80, v34  }
0x80: {  	[tilespmem:v0+s14+$0x0] =	vst.idx.msk $0xffff, v22  }
0x81: {  	v22 =	vld.idx.msk [tilespmem:v25+s13+$0x0], $0xffff  }
0x82: {  	v21 =	vld.idx.msk [tilespmem:v21+s13+$0x0], $0xffff;
	_ =	sdelay $0x3  }
0x83: {  	v25 =	vmul.f32 v22, v22  }
0x84: {  	v37 =	vadd.s32 $0x8, v15;
	vm4 =	vlt.f32 v21, v63  }
0x85: {  	v22 =	vmul.f32 v22, v19;
	v25 =	vadd.f32 v25, v20;
	v15 =	vsel vm4, v37, v15  }
0x86: {  	v21 =	vadd.s32 $0x3, v15  }
0x87: {  	v22 =	vsub.f32 v25, v22;
	_ =	sdelay $0x1  }
0x88: {  	v16 =	vsel vm14, v22, v16;
	v12 =	vsel vm14, v12, v22  }
0x89: {  	v17 =	vsel vm14, v35, v29;
	v14 =	vsel vm14, v14, v24;
	vm5 =	vle.f32 v16, v12  }
0x8a: {  	v38 =	vsel vm5, v17, v14;
	v21 =	vld.idx.msk [tilespmem:v21+s13+$0x0], $0xffff  }
0x8b: {  	v39 =	vor.u32 $0x1, v0;
	v40 =	vadd.s32 $0xFFFFFFFF, v38;
	v41 =	vadd.s32 $0x1, v38  }
0x8c: {  	v26 =	vsel vm5, v40, v41;
	_ =	sdelay $0x2  }
0x8d: {  	v42 =	vadd.s32 $0x4, v15;
	v22 =	vadd.s32 $0xFFFFFF80, v38;
	vm6 =	vlt.f32 v21, v63  }
0x8e: {  	[tilespmem:v39+s14+$0x0] =	vst.idx.msk $0xffff, v22;
	v15 =	vsel vm6, v42, v15  }
0x8f: {  	v43 =	vld.idx.msk [tilespmem:v26+s13+$0x0], $0xffff;
	v44 =	vadd.s32 $0x1, v15;
	_ =	sdelay $0x4  }
0x90: {  	v45 =	vmul.f32 v43, v43;
	v22 =	vld.idx.msk [tilespmem:v44+s13+$0x0], $0xffff;
	_ =	sdelay $0x1  }
0x91: {  	v21 =	vmul.f32 v43, v19;
	v23 =	vadd.f32 v45, v20;
	_ =	sdelay $0x1  }
0x92: {  	v21 =	vsub.f32 v23, v21  }
0x93: {  	s26 =	sadd.s32 $0xFFFFFFB0, s17;
	v46 =	vadd.s32 $0x2, v15;
	vm7 =	vlt.f32 v22, v63  }
0x94: {  	v16 =	vsel vm5, v21, v16;
	v21 =	vsel vm5, v12, v21;
	v12 =	vor.u32 s26, v2  }
0x95: {  	v15 =	vsel vm7, v46, v15;
	_ =	sdelay $0x1  }
0x96: {  	v17 =	vsel vm5, v40, v17;
	v47 =	vsel vm5, v14, v41;
	vm8 =	vle.f32 v16, v21  }
0x97: {  	v48 =	vor.u32 $0x2, v0;
	v14 =	vsel vm8, v17, v47  }
0x98: {  	v49 =	vadd.s32 $0xFFFFFFFF, v14;
	v50 =	vadd.s32 $0x1, v14;
	v28 =	vadd.s32 $0xFFFFFF80, v14;
	v14 =	vld.idx.msk [tilespmem:v12+s3+$0x0], $0xffff  }
0x99: {  	v51 =	vsel vm8, v49, v50;
	v27 =	vld.idx.msk [tilespmem:v15+s13+$0x0], $0xffff;
	_ =	sdelay $0x3  }
0x9a: {  	[tilespmem:v48+s14+$0x0] =	vst.idx.msk $0xffff, v28;
	vm10 =	vlt.f32 v18, v14  }
0x9b: {  	v23 =	vld.idx.msk [tilespmem:v51+s13+$0x0], $0xffff;
	vm9 =	vlt.f32 v27, v63;
	v53 =	vsel vm10, $0x880, v7  }
0x9c: {  	v52 =	vsel vm9, $0x1, v1;
	v55 =	vadd.s32 $0x3FF, v53  }
0x9d: {  	v15 =	vadd.s32 v52, v15  }
0x9e: {  	vm2 =	vlt.s32 v15, v6  }
0x9f: {  	v15 =	vsel vm2, v15, v6  }
0xa0: {  	v54 =	vmul.f32 v23, v23;
	v29 =	vadd.s32 $0xFFFFFFFF, v15  }
0xa1: {  	v56 =	vld.idx.msk [tilespmem:v55+s13+$0x0], $0xffff  }
0xa2: {  	v23 =	vmul.f32 v23, v19;
	v27 =	vadd.f32 v54, v20;
	_ =	sdelay $0x1  }
0xa3: {  	v23 =	vsub.f32 v27, v23;
	v59 =	vld.idx.msk [tilespmem:v15+s13+$0x0], $0xffff  }
0xa4: {  	v17 =	vsel vm8, v49, v17;
	v60 =	vor.u32 $0x400, v53;
	v57 =	vld.idx.msk [tilespmem:v29+s13+$0x0], $0xffff  }
0xa5: {  	v16 =	vsel vm8, v23, v16;
	v23 =	vsel vm8, v21, v23;
	vm12 =	vlt.f32 v56, v14  }
0xa6: {  	v58 =	vsel vm8, v47, v50;
	vm11 =	vle.f32 v16, v23;
	v26 =	vsel vm12, v60, v53  }
0xa7: {  	v30 =	vsel vm11, v17, v58;
	v34 =	vadd.s32 $0x1FF, v26  }
0xa8: {  	v22 =	vadd.f32 v63, v63;
	v21 =	vmul.f32 v63, v63;
	v32 =	vadd.s32 $0xFFFFFFFF, v30  }
0xa9: {  	v33 =	vadd.s32 $0x1, v30;
	v62 =	vmul.f32 v59, v59;
	v61 =	vmul.f32 v57, v57  }
0xaa: {  	v31 =	vor.u32 $0x3, v0;
	v35 =	vsel vm11, v32, v33;
	v25 =	vmul.f32 v59, v22  }
0xab: {  	v28 =	vmul.f32 v57, v22;
	v13 =	vadd.f32 v62, v21;
	v27 =	vadd.f32 v61, v21  }
0xac: {  	v63 =	vld.idx.msk [tilespmem:v34+s13+$0x0], $0xffff  }
0xad: {  	v13 =	vsub.f32 v13, v25;
	v27 =	vsub.f32 v27, v28  }
0xae: {  	v30 =	vadd.s32 $0xFFFFFF80, v30  }
0xaf: {  	[tilespmem:v31+s14+$0x0] =	vst.idx.msk $0xffff, v30;
	vm13 =	vle.f32 v27, v13  }
0xb0: {  	v3 =	vshll.u32 v11, $0x7;
	v42 =	vor.u32 $0x200, v26;
	v9 =	vld.idx.msk [tilespmem:v35+s13+$0x0], $0xffff;
	v10 =	vsel vm13, v29, v15  }
0xb1: {  	v11 =	vadd.s32 $0xFFFFFFFF, v10;
	v40 =	vadd.s32 $0x1, v10;
	vm14 =	vlt.f32 v63, v14  }
0xb2: {  	v41 =	vsel vm13, v11, v40;
	v25 =	vsel vm14, v42, v26  }
0xb3: {  	v44 =	vadd.s32 $0xFF, v25;
	_ =	sdelay $0x1  }
0xb4: {  	v36 =	vmul.f32 v9, v9;
	v43 =	vadd.s32 $0xFFFFFF80, v10  }
0xb5: {  	[tilespmem:v3+s14+$0x0] =	vst.idx.msk $0xffff, v43  }
0xb6: {  	v28 =	vmul.f32 v9, v19;
	v36 =	vadd.f32 v36, v20;
	v26 =	vld.idx.msk [tilespmem:v41+s13+$0x0], $0xffff  }
0xb7: {  	v45 =	vld.idx.msk [tilespmem:v44+s13+$0x0], $0xffff  }
0xb8: {  	v28 =	vsub.f32 v36, v28  }
0xb9: {  	v48 =	vor.u32 $0x4, v0  }
0xba: {  	v17 =	vsel vm11, v32, v17;
	v16 =	vsel vm11, v28, v16;
	v23 =	vsel vm11, v23, v28  }
0xbb: {  	v24 =	vsel vm11, v58, v33;
	vm15 =	vle.f32 v16, v23;
	v47 =	vmul.f32 v26, v26  }
0xbc: {  	v51 =	vor.u32 $0x100, v25;
	v46 =	vsel vm15, v17, v24;
	vm4 =	vlt.f32 v45, v14  }
0xbd: {  	v26 =	vmul.f32 v26, v22;
	v32 =	vadd.f32 v47, v21;
	v25 =	vsel vm4, v51, v25  }
0xbe: {  	v49 =	vadd.s32 $0xFFFFFFFF, v46;
	v50 =	vadd.s32 $0x1, v46;
	v53 =	vadd.s32 $0x7F, v25  }
0xbf: {  	v37 =	vsel vm15, v49, v50;
	v26 =	vsub.f32 v32, v26;
	_ =	sdelay $0x1  }
0xc0: {  	v55 =	vsel vm13, v11, v29;
	v27 =	vsel vm13, v26, v27;
	v13 =	vsel vm13, v13, v26  }
0xc1: {  	v15 =	vsel vm13, v15, v40;
	v52 =	vadd.s32 $0xFFFFFF80, v46;
	vm5 =	vle.f32 v27, v13  }
0xc2: {  	[tilespmem:v48+s14+$0x0] =	vst.idx.msk $0xffff, v52;
	v29 =	vsel vm5, v55, v15;
	v30 =	vld.idx.msk [tilespmem:v53+s13+$0x0], $0xffff  }
0xc3: {  	v56 =	vor.u32 $0x1, v3;
	v54 =	vld.idx.msk [tilespmem:v37+s13+$0x0], $0xffff;
	v57 =	vadd.s32 $0xFFFFFFFF, v29;
	v58 =	vadd.s32 $0x1, v29  }
0xc4: {  	v59 =	vsel vm5, v57, v58;
	_ =	sdelay $0x2  }
0xc5: {  	v60 =	vadd.s32 $0x80, v25;
	v29 =	vadd.s32 $0xFFFFFF80, v29;
	vm6 =	vlt.f32 v30, v14  }
0xc6: {  	v37 =	vmul.f32 v54, v54;
	[tilespmem:v56+s14+$0x0] =	vst.idx.msk $0xffff, v29;
	v25 =	vsel vm6, v60, v25  }
0xc7: {  	v29 =	vld.idx.msk [tilespmem:v59+s13+$0x0], $0xffff;
	v30 =	vadd.s32 $0x3F, v25  }
0xc8: {  	v26 =	vmul.f32 v54, v19;
	v37 =	vadd.f32 v37, v20;
	_ =	sdelay $0x1  }
0xc9: {  	v26 =	vsub.f32 v37, v26;
	_ =	sdelay $0x1  }
0xca: {  	v16 =	vsel vm15, v26, v16;
	v23 =	vsel vm15, v23, v26;
	v62 =	vmul.f32 v29, v29;
	v30 =	vld.idx.msk [tilespmem:v30+s13+$0x0], $0xffff  }
0xcb: {  	v17 =	vsel vm15, v49, v17;
	v24 =	vsel vm15, v24, v50;
	vm7 =	vle.f32 v16, v23  }
0xcc: {  	v61 =	vsel vm7, v17, v24;
	v29 =	vmul.f32 v29, v22;
	v31 =	vadd.f32 v62, v21  }
0xcd: {  	v63 =	vor.u32 $0x5, v0;
	v9 =	vadd.s32 $0xFFFFFFFF, v61;
	v10 =	vadd.s32 $0x1, v61  }
0xce: {  	v40 =	vsel vm5, v57, v55;
	v11 =	vsel vm7, v9, v10;
	v29 =	vsub.f32 v31, v29  }
0xcf: {  	v15 =	vsel vm5, v15, v58;
	v42 =	vadd.s32 $0x40, v25;
	vm8 =	vlt.f32 v30, v14  }
0xd0: {  	v27 =	vsel vm5, v29, v27;
	v13 =	vsel vm5, v13, v29;
	v25 =	vsel vm8, v42, v25  }
0xd1: {  	v26 =	vadd.s32 $0xFFFFFF80, v61;
	vm9 =	vle.f32 v27, v13;
	v44 =	vadd.s32 $0x1F, v25  }
0xd2: {  	[tilespmem:v63+s14+$0x0] =	vst.idx.msk $0xffff, v26;
	v43 =	vsel vm9, v40, v15  }
0xd3: {  	v45 =	vor.u32 $0x2, v3;
	v41 =	vld.idx.msk [tilespmem:v11+s13+$0x0], $0xffff;
	v46 =	vadd.s32 $0xFFFFFFFF, v43;
	v47 =	vadd.s32 $0x1, v43  }
0xd4: {  	v48 =	vsel vm9, v46, v47;
	_ =	sdelay $0x1  }
0xd5: {  	v30 =	vld.idx.msk [tilespmem:v44+s13+$0x0], $0xffff  }
0xd6: {  	v29 =	vadd.s32 $0xFFFFFF80, v43  }
0xd7: {  	v37 =	vmul.f32 v41, v41;
	[tilespmem:v45+s14+$0x0] =	vst.idx.msk $0xffff, v29  }
0xd8: {  	v29 =	vld.idx.msk [tilespmem:v48+s13+$0x0], $0xffff  }
0xd9: {  	v28 =	vmul.f32 v41, v19;
	v37 =	vadd.f32 v37, v20  }
0xda: {  	v49 =	vadd.s32 $0x20, v25;
	vm10 =	vlt.f32 v30, v14  }
0xdb: {  	v28 =	vsub.f32 v37, v28;
	v25 =	vsel vm10, v49, v25  }
0xdc: {  	v52 =	vadd.s32 $0xF, v25  }
0xdd: {  	v16 =	vsel vm7, v28, v16;
	v23 =	vsel vm7, v23, v28;
	v51 =	vmul.f32 v29, v29  }
0xde: {  	v17 =	vsel vm7, v9, v17;
	v24 =	vsel vm7, v24, v10;
	vm11 =	vle.f32 v16, v23  }
0xdf: {  	v50 =	vsel vm11, v17, v24;
	v29 =	vmul.f32 v29, v22;
	v30 =	vadd.f32 v51, v21  }
0xe0: {  	v53 =	vor.u32 $0x6, v0;
	v54 =	vadd.s32 $0xFFFFFFFF, v50;
	v55 =	vadd.s32 $0x1, v50  }
0xe1: {  	v56 =	vsel vm11, v54, v55;
	v29 =	vsub.f32 v30, v29;
	v57 =	vld.idx.msk [tilespmem:v52+s13+$0x0], $0xffff;
	_ =	sdelay $0x1  }
0xe2: {  	v26 =	vsel vm9, v46, v40;
	v27 =	vsel vm9, v29, v27;
	v13 =	vsel vm9, v13, v29  }
0xe3: {  	v15 =	vsel vm9, v15, v47;
	v28 =	vadd.s32 $0xFFFFFF80, v50;
	vm12 =	vle.f32 v27, v13  }
0xe4: {  	v59 =	vor.u32 $0x3, v3;
	[tilespmem:v53+s14+$0x0] =	vst.idx.msk $0xffff, v28;
	v62 =	vadd.s32 $0x10, v25;
	v58 =	vsel vm12, v26, v15  }
0xe5: {  	v28 =	vld.idx.msk [tilespmem:v56+s13+$0x0], $0xffff;
	v60 =	vadd.s32 $0xFFFFFFFF, v58;
	v61 =	vadd.s32 $0x1, v58;
	vm13 =	vlt.f32 v57, v14  }
0xe6: {  	v63 =	vsel vm12, v60, v61;
	v25 =	vsel vm13, v62, v25  }
0xe7: {  	v10 =	vadd.s32 $0x7, v25;
	_ =	sdelay $0x1  }
0xe8: {  	v29 =	vadd.s32 $0xFFFFFF80, v58  }
0xe9: {  	v9 =	vmul.f32 v28, v28;
	[tilespmem:v59+s14+$0x0] =	vst.idx.msk $0xffff, v29  }
0xea: {  	v29 =	vld.idx.msk [tilespmem:v63+s13+$0x0], $0xffff  }
0xeb: {  	v28 =	vmul.f32 v28, v19;
	v30 =	vadd.f32 v9, v20;
	v11 =	vld.idx.msk [tilespmem:v10+s13+$0x0], $0xffff;
	_ =	sdelay $0x1  }
0xec: {  	v28 =	vsub.f32 v30, v28  }
0xed: {  	v17 =	vsel vm11, v54, v17;
	v24 =	vsel vm11, v24, v55  }
0xee: {  	v40 =	vsel vm11, v28, v16;
	v23 =	vsel vm11, v23, v28;
	v45 =	vmul.f32 v29, v29  }
0xef: {  	v46 =	vadd.s32 $0x8, v25;
	vm14 =	vle.f32 v40, v23;
	vm15 =	vlt.f32 v11, v14  }
0xf0: {  	v29 =	vmul.f32 v29, v22;
	v25 =	vsel vm15, v46, v25;
	v48 =	vadd.f32 v45, v21  }
0xf1: {  	v42 =	vor.u32 $0x7, v0;
	v41 =	vsel vm14, v17, v24;
	v49 =	vadd.s32 $0x3, v25  }
0xf2: {  	v43 =	vadd.s32 $0xFFFFFFFF, v41;
	v44 =	vadd.s32 $0x1, v41;
	v29 =	vsub.f32 v48, v29  }
0xf3: {  	v47 =	vsel vm14, v43, v44  }
0xf4: {  	s28 =	sadd.s32 $0xFFFFFFC0, s17;
	v26 =	vsel vm12, v60, v26;
	v27 =	vsel vm12, v29, v27;
	v29 =	vsel vm12, v13, v29  }
0xf5: {  	v15 =	vsel vm12, v15, v61;
	v13 =	vor.u32 s28, v2;
	vm4 =	vle.f32 v27, v29  }
0xf6: {  	v16 =	vadd.s32 $0xFFFFFF80, v41;
	v50 =	vld.idx.msk [tilespmem:v49+s13+$0x0], $0xffff;
	v51 =	vsel vm4, v26, v15  }
0xf7: {  	v52 =	vor.u32 $0x4, v3;
	[tilespmem:v42+s14+$0x0] =	vst.idx.msk $0xffff, v16;
	v53 =	vadd.s32 $0xFFFFFFFF, v51;
	v54 =	vadd.s32 $0x1, v51  }
0xf8: {  	v28 =	vld.idx.msk [tilespmem:v47+s13+$0x0], $0xffff;
	v55 =	vsel vm4, v53, v54;
	_ =	sdelay $0x1  }
0xf9: {  	v16 =	vld.idx.msk [tilespmem:v13+s3+$0x0], $0xffff  }
0xfa: {  	v56 =	vadd.s32 $0x4, v25;
	v30 =	vadd.s32 $0xFFFFFF80, v51;
	vm5 =	vlt.f32 v50, v14  }
0xfb: {  	[tilespmem:v52+s14+$0x0] =	vst.idx.msk $0xffff, v30;
	v25 =	vsel vm5, v56, v25  }
0xfc: {  	v38 =	vmul.f32 v28, v28;
	v57 =	vadd.s32 $0x1, v25;
	v32 =	vld.idx.msk [tilespmem:v55+s13+$0x0], $0xffff;
	_ =	sdelay $0x1  }
0xfd: {  	v28 =	vmul.f32 v28, v19;
	v38 =	vadd.f32 v38, v20;
	vm6 =	vlt.f32 v18, v16  }
0xfe: {  	v59 =	vsel vm6, $0x880, v7  }
0xff: {  	v28 =	vsub.f32 v38, v28;
	v61 =	vadd.s32 $0x3FF, v59  }
0x100: {  	v17 =	vsel vm14, v43, v17;
	v58 =	vld.idx.msk [tilespmem:v57+s13+$0x0], $0xffff;
	v60 =	vmul.f32 v32, v32  }
0x101: {  	v24 =	vsel vm14, v24, v44;
	v31 =	vsel vm14, v28, v40;
	v23 =	vsel vm14, v23, v28  }
0x102: {  	vm7 =	vle.f32 v31, v23;
	v32 =	vmul.f32 v32, v22;
	v35 =	vadd.f32 v60, v21  }
0x103: {  	v44 =	vor.u32 $0x5, v3;
	v40 =	vor.u32 $0x8, v0;
	v34 =	vsel vm7, v17, v24  }
0x104: {  	v62 =	vadd.s32 $0xFFFFFFFF, v34;
	v39 =	vadd.s32 $0x1, v34;
	v9 =	vld.idx.msk [tilespmem:v61+s13+$0x0], $0xffff;
	v32 =	vsub.f32 v35, v32  }
0x105: {  	v63 =	vadd.s32 $0x2, v25;
	v41 =	vsel vm7, v62, v39;
	vm8 =	vlt.f32 v58, v14  }
0x106: {  	v25 =	vsel vm8, v63, v25;
	v27 =	vsel vm4, v32, v27;
	v29 =	vsel vm4, v29, v32  }
0x107: {  	v26 =	vsel vm4, v53, v26;
	v15 =	vsel vm4, v15, v54;
	vm9 =	vle.f32 v27, v29  }
0x108: {  	v34 =	vadd.s32 $0xFFFFFF80, v34;
	v48 =	vor.u32 $0x400, v59;
	v10 =	vsel vm9, v26, v15  }
0x109: {  	[tilespmem:v40+s14+$0x0] =	vst.idx.msk $0xffff, v34;
	vm10 =	vlt.f32 v9, v16;
	v45 =	vadd.s32 $0xFFFFFFFF, v10;
	v46 =	vadd.s32 $0x1, v10  }
0x10a: {  	v11 =	vld.idx.msk [tilespmem:v41+s13+$0x0], $0xffff;
	v28 =	vsel vm10, v48, v59;
	v49 =	vsel vm9, v45, v46  }
0x10b: {  	v30 =	vadd.s32 $0x1FF, v28;
	v47 =	vld.idx.msk [tilespmem:v25+s13+$0x0], $0xffff;
	_ =	sdelay $0x1  }
0x10c: {  	v32 =	vadd.s32 $0xFFFFFF80, v10  }
0x10d: {  	[tilespmem:v44+s14+$0x0] =	vst.idx.msk $0xffff, v32  }
0x10e: {  	v32 =	vld.idx.msk [tilespmem:v49+s13+$0x0], $0xffff  }
0x10f: {  	v41 =	vmul.f32 v11, v11;
	v30 =	vld.idx.msk [tilespmem:v30+s13+$0x0], $0xffff;
	vm11 =	vlt.f32 v47, v14  }
0x110: {  	v50 =	vsel vm11, $0x1, v1  }
0x111: {  	v33 =	vmul.f32 v11, v19;
	v51 =	vadd.f32 v41, v20;
	v25 =	vadd.s32 v50, v25  }
0x112: {  	vm12 =	vlt.s32 v25, v6  }
0x113: {  	v53 =	vor.u32 $0x200, v28;
	v33 =	vsub.f32 v51, v33;
	v25 =	vsel vm12, v25, v6  }
0x114: {  	v52 =	vmul.f32 v32, v32;
	vm13 =	vlt.f32 v30, v16;
	v34 =	vadd.s32 $0xFFFFFFFF, v25  }
0x115: {  	v31 =	vsel vm7, v33, v31;
	v23 =	vsel vm7, v23, v33;
	v28 =	vsel vm13, v53, v28  }
0x116: {  	v32 =	vmul.f32 v32, v22;
	v54 =	vadd.f32 v52, v21;
	v30 =	vadd.s32 $0xFF, v28  }
0x117: {  	v17 =	vsel vm7, v62, v17;
	v24 =	vsel vm7, v24, v39;
	vm14 =	vle.f32 v31, v23  }
0x118: {  	v8 =	vmul.f32 v14, v14;
	v55 =	vsel vm14, v17, v24;
	v32 =	vsub.f32 v54, v32;
	v48 =	vld.idx.msk [tilespmem:v25+s13+$0x0], $0xffff  }
0x119: {  	v56 =	vor.u32 $0x9, v0;
	v26 =	vsel vm9, v45, v26;
	v58 =	vadd.s32 $0xFFFFFFFF, v55;
	v57 =	vld.idx.msk [tilespmem:v34+s13+$0x0], $0xffff  }
0x11a: {  	v59 =	vadd.s32 $0x1, v55;
	v27 =	vsel vm9, v32, v27;
	v29 =	vsel vm9, v29, v32  }
0x11b: {  	v49 =	vsel vm9, v15, v46;
	v42 =	vsel vm14, v58, v59;
	vm15 =	vle.f32 v27, v29;
	v30 =	vld.idx.msk [tilespmem:v30+s13+$0x0], $0xffff  }
0x11c: {  	v5 =	vadd.f32 v14, v14;
	v44 =	vor.u32 $0x6, v3;
	v35 =	vsel vm15, v26, v49  }
0x11d: {  	v50 =	vadd.s32 $0xFFFFFF80, v55;
	v51 =	vadd.s32 $0xFFFFFFFF, v35;
	v60 =	vadd.s32 $0x1, v35  }
0x11e: {  	v43 =	vmul.f32 v48, v48;
	v45 =	vsel vm15, v51, v60;
	v61 =	vmul.f32 v57, v57  }
0x11f: {  	[tilespmem:v56+s14+$0x0] =	vst.idx.msk $0xffff, v50;
	v62 =	vor.u32 $0x100, v28;
	v41 =	vmul.f32 v48, v5;
	v33 =	vmul.f32 v57, v5  }
0x120: {  	v42 =	vld.idx.msk [tilespmem:v42+s13+$0x0], $0xffff;
	v43 =	vadd.f32 v43, v8;
	vm5 =	vlt.f32 v30, v16;
	v38 =	vadd.f32 v61, v8  }
0x121: {  	v35 =	vadd.s32 $0xFFFFFF80, v35;
	v28 =	vsel vm5, v62, v28  }
0x122: {  	[tilespmem:v44+s14+$0x0] =	vst.idx.msk $0xffff, v35;
	v9 =	vsub.f32 v43, v41;
	v52 =	vadd.s32 $0x7F, v28;
	v63 =	vsub.f32 v38, v33  }
0x123: {  	v35 =	vld.idx.msk [tilespmem:v45+s13+$0x0], $0xffff  }
0x124: {  	vm6 =	vle.f32 v63, v9  }
0x125: {  	v53 =	vmul.f32 v42, v42;
	v54 =	vsel vm6, v34, v25  }
0x126: {  	v4 =	vshll.u32 v12, $0x7;
	v55 =	vadd.s32 $0xFFFFFFFF, v54;
	v56 =	vadd.s32 $0x1, v54  }
0x127: {  	v42 =	vmul.f32 v42, v19;
	v41 =	vadd.f32 v53, v20;
	v38 =	vld.idx.msk [tilespmem:v52+s13+$0x0], $0xffff;
	v46 =	vsel vm6, v55, v56  }
0x128: {  	v57 =	vmul.f32 v35, v35  }
0x129: {  	v14 =	vor.u32 $0xA, v0;
	v41 =	vsub.f32 v41, v42  }
0x12a: {  	v10 =	vadd.s32 $0xFFFFFF80, v54;
	v35 =	vmul.f32 v35, v22;
	v39 =	vadd.f32 v57, v21  }
0x12b: {  	v17 =	vsel vm14, v58, v17;
	v24 =	vsel vm14, v24, v59;
	v11 =	vadd.s32 $0x80, v28;
	[tilespmem:v4+s14+$0x0] =	vst.idx.msk $0xffff, v10  }
0x12c: {  	v58 =	vsel vm14, v23, v41;
	vm3 =	vlt.f32 v38, v16;
	v35 =	vsub.f32 v39, v35;
	v23 =	vld.idx.msk [tilespmem:v46+s13+$0x0], $0xffff  }
0x12d: {  	v26 =	vsel vm15, v51, v26;
	v31 =	vsel vm14, v41, v31;
	v28 =	vsel vm3, v11, v28  }
0x12e: {  	v59 =	vadd.s32 $0x3F, v28;
	v27 =	vsel vm15, v35, v27;
	v29 =	vsel vm15, v29, v35  }
0x12f: {  	v32 =	vsel vm15, v49, v60;
	vm0 =	vle.f32 v31, v58;
	vm7 =	vle.f32 v27, v29  }
0x130: {  	v62 =	vor.u32 $0x7, v3;
	v12 =	vsel vm0, v17, v24;
	v36 =	vsel vm7, v26, v32  }
0x131: {  	v47 =	vadd.s32 $0xFFFFFFFF, v36;
	v48 =	vadd.s32 $0x1, v36;
	v61 =	vmul.f32 v23, v23  }
0x132: {  	v15 =	vadd.s32 $0xFFFFFFFF, v12;
	v43 =	vadd.s32 $0x1, v12;
	v49 =	vsel vm7, v47, v48  }
0x133: {  	v60 =	vsel vm0, v15, v43;
	v23 =	vmul.f32 v23, v5;
	v42 =	vld.idx.msk [tilespmem:v59+s13+$0x0], $0xffff;
	v37 =	vadd.f32 v61, v8;
	_ =	sdelay $0x1  }
0x134: {  	v36 =	vadd.s32 $0xFFFFFF80, v36;
	v23 =	vsub.f32 v37, v23  }
0x135: {  	v34 =	vsel vm6, v55, v34;
	v41 =	vadd.s32 $0xFFFFFF80, v12;
	[tilespmem:v62+s14+$0x0] =	vst.idx.msk $0xffff, v36  }
0x136: {  	[tilespmem:v14+s14+$0x0] =	vst.idx.msk $0xffff, v41;
	v11 =	vor.u32 $0x1, v4;
	v36 =	vld.idx.msk [tilespmem:v49+s13+$0x0], $0xffff;
	v30 =	vsel vm6, v23, v63  }
0x137: {  	v35 =	vld.idx.msk [tilespmem:v60+s13+$0x0], $0xffff;
	v33 =	vsel vm6, v9, v23;
	vm8 =	vlt.f32 v42, v16;
	v63 =	vadd.s32 $0x40, v28  }
0x138: {  	v25 =	vsel vm6, v25, v56;
	vm9 =	vle.f32 v30, v33;
	v28 =	vsel vm8, v63, v28  }
0x139: {  	v9 =	vsel vm9, v34, v25;
	v10 =	vadd.s32 $0x1F, v28  }
0x13a: {  	v12 =	vadd.s32 $0xFFFFFFFF, v9;
	v14 =	vadd.s32 $0x1, v9  }
0x13b: {  	s29 =	sadd.s32 $0xFFFFFFD0, s17;
	v23 =	vadd.s32 $0xFFFFFF80, v9;
	v52 =	vsel vm9, v12, v14;
	v53 =	vmul.f32 v36, v36  }
0x13c: {  	v51 =	vmul.f32 v35, v35;
	[tilespmem:v11+s14+$0x0] =	vst.idx.msk $0xffff, v23;
	v23 =	vor.u32 s29, v2  }
0x13d: {  	v36 =	vmul.f32 v36, v22;
	v46 =	vadd.f32 v53, v21  }
0x13e: {  	v35 =	vmul.f32 v35, v19;
	v44 =	vadd.f32 v51, v20;
	v37 =	vld.idx.msk [tilespmem:v10+s13+$0x0], $0xffff  }
0x13f: {  	v36 =	vsub.f32 v46, v36  }
0x140: {  	v35 =	vsub.f32 v44, v35;
	v38 =	vld.idx.msk [tilespmem:v52+s13+$0x0], $0xffff  }
0x141: {  	v27 =	vsel vm7, v36, v27;
	v36 =	vsel vm7, v29, v36;
	v29 =	vld.idx.msk [tilespmem:v23+s3+$0x0], $0xffff  }
0x142: {  	v26 =	vsel vm7, v47, v26;
	v32 =	vsel vm7, v32, v48;
	v31 =	vsel vm0, v35, v31  }
0x143: {  	v54 =	vadd.s32 $0x20, v28;
	vm11 =	vle.f32 v27, v36;
	vm10 =	vlt.f32 v37, v16  }
0x144: {  	v35 =	vsel vm0, v58, v35;
	v55 =	vsel vm11, v26, v32;
	v28 =	vsel vm10, v54, v28  }
0x145: {  	v58 =	vor.u32 $0x8, v3;
	v46 =	vadd.s32 $0xFFFFFFFF, v55;
	v57 =	vadd.s32 $0xF, v28  }
0x146: {  	v47 =	vadd.s32 $0x1, v55;
	v56 =	vmul.f32 v38, v38;
	vm13 =	vlt.f32 v18, v29  }
0x147: {  	v59 =	vsel vm11, v46, v47;
	v62 =	vsel vm13, $0x880, v7  }
0x148: {  	v38 =	vmul.f32 v38, v5;
	v40 =	vadd.f32 v56, v8;
	v63 =	vadd.s32 $0x3FF, v62  }
0x149: {  	v17 =	vsel vm0, v15, v17;
	v24 =	vsel vm0, v24, v43;
	vm12 =	vle.f32 v31, v35  }
0x14a: {  	v39 =	vsel vm12, v17, v24;
	v37 =	vadd.s32 $0xFFFFFF80, v55;
	v38 =	vsub.f32 v40, v38;
	v61 =	vld.idx.msk [tilespmem:v57+s13+$0x0], $0xffff  }
0x14b: {  	v60 =	vor.u32 $0xB, v0;
	v34 =	vsel vm9, v12, v34;
	v25 =	vsel vm9, v25, v14;
	[tilespmem:v58+s14+$0x0] =	vst.idx.msk $0xffff, v37  }
0x14c: {  	v12 =	vor.u32 $0x2, v4;
	v9 =	vld.idx.msk [tilespmem:v59+s13+$0x0], $0xffff;
	v30 =	vsel vm9, v38, v30;
	v33 =	vsel vm9, v33, v38  }
0x14d: {  	v41 =	vadd.s32 $0xFFFFFFFF, v39;
	v42 =	vadd.s32 $0x1, v39;
	vm14 =	vle.f32 v30, v33;
	v37 =	vld.idx.msk [tilespmem:v63+s13+$0x0], $0xffff  }
0x14e: {  	v11 =	vsel vm12, v41, v42;
	v14 =	vadd.s32 $0x10, v28;
	v10 =	vsel vm14, v34, v25  }
0x14f: {  	v50 =	vadd.s32 $0xFFFFFFFF, v10;
	v51 =	vadd.s32 $0x1, v10;
	vm15 =	vlt.f32 v61, v16  }
0x150: {  	v52 =	vsel vm14, v50, v51;
	v28 =	vsel vm15, v14, v28  }
0x151: {  	v39 =	vadd.s32 $0xFFFFFF80, v39;
	v15 =	vmul.f32 v9, v9;
	v53 =	vadd.s32 $0x7, v28  }
0x152: {  	[tilespmem:v60+s14+$0x0] =	vst.idx.msk $0xffff, v39;
	v59 =	vor.u32 $0x400, v62;
	v56 =	vadd.s32 $0xFFFFFF80, v10;
	vm6 =	vlt.f32 v37, v29  }
0x153: {  	v38 =	vmul.f32 v9, v22;
	v55 =	vadd.f32 v15, v21;
	v37 =	vsel vm6, v59, v62  }
0x154: {  	v57 =	vld.idx.msk [tilespmem:v11+s13+$0x0], $0xffff;
	[tilespmem:v12+s14+$0x0] =	vst.idx.msk $0xffff, v56;
	v61 =	vadd.s32 $0x1FF, v37  }
0x155: {  	v38 =	vsub.f32 v55, v38;
	v58 =	vld.idx.msk [tilespmem:v52+s13+$0x0], $0xffff  }
0x156: {  	v60 =	vld.idx.msk [tilespmem:v53+s13+$0x0], $0xffff  }
0x157: {  	v17 =	vsel vm12, v41, v17;
	v27 =	vsel vm11, v38, v27;
	v36 =	vsel vm11, v36, v38  }
0x158: {  	v26 =	vsel vm11, v46, v26;
	v32 =	vsel vm11, v32, v47;
	vm7 =	vle.f32 v27, v36  }
0x159: {  	v9 =	vor.u32 $0x9, v3;
	v43 =	vmul.f32 v57, v19;
	v63 =	vsel vm7, v26, v32;
	v38 =	vld.idx.msk [tilespmem:v61+s13+$0x0], $0xffff  }
0x15a: {  	v12 =	vadd.s32 $0x8, v28;
	v47 =	vadd.s32 $0xFFFFFFFF, v63;
	v48 =	vadd.s32 $0x1, v63  }
0x15b: {  	v10 =	vmul.f32 v58, v58;
	v11 =	vsel vm7, v47, v48;
	vm8 =	vlt.f32 v60, v16  }
0x15c: {  	v62 =	vmul.f32 v57, v57;
	v54 =	vor.u32 $0x200, v37;
	v28 =	vsel vm8, v12, v28  }
0x15d: {  	v39 =	vmul.f32 v58, v5;
	v49 =	vadd.f32 v10, v8;
	v15 =	vadd.s32 $0x3, v28  }
0x15e: {  	v14 =	vadd.f32 v62, v20;
	v45 =	vadd.s32 $0xFFFFFF80, v63;
	vm9 =	vlt.f32 v38, v29  }
0x15f: {  	[tilespmem:v9+s14+$0x0] =	vst.idx.msk $0xffff, v45;
	v39 =	vsub.f32 v49, v39;
	v37 =	vsel vm9, v54, v37  }
0x160: {  	v41 =	vsel vm12, v24, v42;
	v40 =	vsub.f32 v14, v43;
	v53 =	vld.idx.msk [tilespmem:v11+s13+$0x0], $0xffff;
	v57 =	vadd.s32 $0xFF, v37  }
0x161: {  	v34 =	vsel vm14, v50, v34;
	v30 =	vsel vm14, v39, v30;
	v33 =	vsel vm14, v33, v39  }
0x162: {  	v25 =	vsel vm14, v25, v51;
	v31 =	vsel vm12, v40, v31;
	vm10 =	vle.f32 v30, v33;
	v55 =	vld.idx.msk [tilespmem:v15+s13+$0x0], $0xffff  }
0x163: {  	v58 =	vor.u32 $0x3, v4;
	v35 =	vsel vm12, v35, v40;
	v56 =	vsel vm10, v34, v25  }
0x164: {  	vm11 =	vle.f32 v31, v35;
	v46 =	vadd.s32 $0xFFFFFFFF, v56;
	v49 =	vadd.s32 $0x1, v56  }
0x165: {  	v42 =	vsel vm11, v17, v41;
	v59 =	vmul.f32 v53, v53;
	v60 =	vsel vm10, v46, v49;
	v9 =	vld.idx.msk [tilespmem:v57+s13+$0x0], $0xffff  }
0x166: {  	v14 =	vor.u32 $0xC, v0;
	v62 =	vadd.s32 $0x4, v28;
	v11 =	vadd.s32 $0xFFFFFF80, v42  }
0x167: {  	v63 =	vmul.f32 v53, v22;
	v61 =	vadd.f32 v59, v21;
	vm12 =	vlt.f32 v55, v16  }
0x168: {  	v38 =	vadd.s32 $0xFFFFFF80, v56;
	v15 =	vadd.s32 $0xFFFFFFFF, v42;
	v28 =	vsel vm12, v62, v28  }
0x169: {  	v42 =	vadd.s32 $0x1, v42;
	[tilespmem:v58+s14+$0x0] =	vst.idx.msk $0xffff, v38;
	v24 =	vsub.f32 v61, v63;
	v10 =	vadd.s32 $0x1, v28  }
0x16a: {  	v56 =	vsel vm11, v15, v42;
	v57 =	vor.u32 $0x100, v37;
	v12 =	vld.idx.msk [tilespmem:v60+s13+$0x0], $0xffff;
	vm13 =	vlt.f32 v9, v29  }
0x16b: {  	v27 =	vsel vm7, v24, v27;
	v36 =	vsel vm7, v36, v24;
	v24 =	vsel vm13, v57, v37  }
0x16c: {  	v61 =	vadd.s32 $0x7F, v24  }
0x16d: {  	v47 =	vsel vm7, v47, v26;
	v32 =	vsel vm7, v32, v48  }
0x16e: {  	[tilespmem:v14+s14+$0x0] =	vst.idx.msk $0xffff, v11;
	v62 =	vor.u32 $0xA, v3;
	vm14 =	vle.f32 v27, v36;
	v58 =	vld.idx.msk [tilespmem:v10+s13+$0x0], $0xffff  }
0x16f: {  	v43 =	vld.idx.msk [tilespmem:v56+s13+$0x0], $0xffff;
	v59 =	vsel vm14, v47, v32;
	v60 =	vmul.f32 v12, v12  }
0x170: {  	v51 =	vadd.s32 $0xFFFFFFFF, v59;
	v52 =	vadd.s32 $0x1, v59  }
0x171: {  	v63 =	vsel vm14, v51, v52;
	v40 =	vmul.f32 v12, v5;
	v38 =	vadd.f32 v60, v8;
	v10 =	vld.idx.msk [tilespmem:v61+s13+$0x0], $0xffff  }
0x172: {  	v34 =	vsel vm10, v46, v34;
	v9 =	vadd.s32 $0x2, v28;
	v37 =	vadd.s32 $0xFFFFFF80, v59  }
0x173: {  	v59 =	vor.u32 $0x4, v4;
	[tilespmem:v62+s14+$0x0] =	vst.idx.msk $0xffff, v37;
	v38 =	vsub.f32 v38, v40;
	vm15 =	vlt.f32 v58, v16  }
0x174: {  	v37 =	vsel vm10, v25, v49;
	v12 =	vmul.f32 v43, v19;
	v40 =	vsel vm15, v9, v28  }
0x175: {  	v30 =	vsel vm10, v38, v30;
	v33 =	vsel vm10, v33, v38;
	v58 =	vmul.f32 v43, v43  }
0x176: {  	v61 =	vadd.s32 $0x80, v24;
	v11 =	vld.idx.msk [tilespmem:v63+s13+$0x0], $0xffff;
	vm6 =	vle.f32 v30, v33;
	vm7 =	vlt.f32 v10, v29  }
0x177: {  	v57 =	vsel vm6, v34, v37;
	v62 =	vadd.f32 v58, v20;
	v53 =	vsel vm7, v61, v24  }
0x178: {  	v44 =	vadd.s32 $0xFFFFFFFF, v57;
	v46 =	vadd.s32 $0x1, v57;
	v54 =	vadd.s32 $0x3F, v53  }
0x179: {  	s30 =	sadd.s32 $0xFFFFFFE0, s17;
	v25 =	vsel vm11, v15, v17;
	v32 =	vsel vm14, v32, v52;
	v63 =	vsel vm6, v44, v46;
	v60 =	vld.idx.msk [tilespmem:v40+s13+$0x0], $0xffff  }
0x17a: {  	v9 =	vor.u32 s30, v2;
	v28 =	vsel vm11, v41, v42;
	v55 =	vsub.f32 v62, v12  }
0x17b: {  	v57 =	vadd.s32 $0xFFFFFF80, v57;
	v10 =	vor.u32 $0xB, v3;
	v14 =	vmul.f32 v11, v11  }
0x17c: {  	v58 =	vmul.f32 v11, v22;
	v26 =	vsel vm11, v55, v31;
	v31 =	vsel vm11, v35, v55  }
0x17d: {  	[tilespmem:v59+s14+$0x0] =	vst.idx.msk $0xffff, v57;
	v56 =	vadd.f32 v14, v21;
	vm0 =	vle.f32 v26, v31;
	v62 =	vld.idx.msk [tilespmem:v54+s13+$0x0], $0xffff  }
0x17e: {  	v12 =	vadd.s32 $0x40, v53;
	v39 =	vld.idx.msk [tilespmem:v63+s13+$0x0], $0xffff;
	v63 =	vsel vm0, v25, v28;
	vm8 =	vlt.f32 v60, v16  }
0x17f: {  	v60 =	vsub.f32 v56, v58;
	v56 =	vadd.s32 $0xFFFFFFFF, v63;
	v58 =	vadd.s32 $0x1, v63  }
0x180: {  	v54 =	vor.u32 $0xD, v0;
	v59 =	vsel vm8, $0x1, v1;
	v17 =	vsel vm0, v56, v58  }
0x181: {  	v61 =	vadd.s32 v59, v40;
	v40 =	vsel vm14, v51, v47;
	v41 =	vsel vm14, v60, v27;
	v27 =	vld.idx.msk [tilespmem:v9+s3+$0x0], $0xffff  }
0x182: {  	v36 =	vsel vm14, v36, v60;
	vm9 =	vlt.s32 v61, v6;
	vm11 =	vlt.f32 v62, v29  }
0x183: {  	v11 =	vmul.f32 v39, v39;
	v35 =	vsel vm9, v61, v6;
	v38 =	vsel vm11, v12, v53  }
0x184: {  	vm10 =	vle.f32 v41, v36;
	v39 =	vmul.f32 v39, v5;
	v14 =	vadd.s32 $0x1F, v38  }
0x185: {  	[tilespmem:$0x1FDD0] =	vst v9;
	v9 =	vsel vm10, v40, v32;
	v42 =	vadd.s32 $0xFFFFFFFF, v35;
	v47 =	vadd.f32 v11, v8  }
0x186: {  	v48 =	vadd.s32 $0xFFFFFFFF, v9;
	v49 =	vadd.s32 $0x1, v9;
	vm12 =	vlt.f32 v18, v27  }
0x187: {  	v15 =	vsel vm10, v48, v49;
	v39 =	vsub.f32 v47, v39;
	v55 =	vsel vm12, $0x880, v7  }
0x188: {  	v34 =	vsel vm6, v44, v34;
	v47 =	vld.idx.msk [tilespmem:v35+s13+$0x0], $0xffff;
	v57 =	vadd.s32 $0x3FF, v55  }
0x189: {  	v51 =	vadd.s32 $0xFFFFFF80, v63;
	v30 =	vsel vm6, v39, v30;
	v39 =	vsel vm6, v33, v39;
	v33 =	vld.idx.msk [tilespmem:v14+s13+$0x0], $0xffff  }
0x18a: {  	v37 =	vsel vm6, v37, v46;
	[tilespmem:v54+s14+$0x0] =	vst.idx.msk $0xffff, v51;
	v43 =	vadd.s32 $0xFFFFFF80, v9;
	v12 =	vor.u32 $0x5, v4;
	v53 =	vld.idx.msk [tilespmem:v42+s13+$0x0], $0xffff  }
0x18b: {  	[tilespmem:v10+s14+$0x0] =	vst.idx.msk $0xffff, v43;
	v10 =	vadd.f32 v16, v16;
	v43 =	vld.idx.msk [tilespmem:v17+s13+$0x0], $0xffff;
	vm13 =	vle.f32 v30, v39  }
0x18c: {  	v17 =	vor.u32 $0x400, v55;
	v44 =	vld.idx.msk [tilespmem:v15+s13+$0x0], $0xffff;
	v24 =	vsel vm13, v34, v37;
	v14 =	vmul.f32 v16, v16  }
0x18d: {  	v15 =	vadd.s32 $0x20, v38;
	v59 =	vadd.s32 $0xFFFFFFFF, v24;
	v60 =	vadd.s32 $0x1, v24;
	v57 =	vld.idx.msk [tilespmem:v57+s13+$0x0], $0xffff  }
0x18e: {  	v45 =	vadd.s32 $0xFFFFFF80, v24;
	v11 =	vmul.f32 v47, v47;
	vm14 =	vlt.f32 v33, v29  }
0x18f: {  	v62 =	vsel vm13, v59, v60;
	v9 =	vmul.f32 v53, v53;
	v38 =	vsel vm14, v15, v38  }
0x190: {  	[tilespmem:v12+s14+$0x0] =	vst.idx.msk $0xffff, v45;
	v47 =	vmul.f32 v47, v10;
	v50 =	vadd.f32 v11, v14;
	v33 =	vadd.s32 $0xF, v38  }
0x191: {  	v53 =	vmul.f32 v53, v10;
	v61 =	vmul.f32 v44, v44;
	v46 =	vadd.f32 v9, v14  }
0x192: {  	v44 =	vmul.f32 v44, v22;
	v47 =	vsub.f32 v50, v47;
	vm15 =	vlt.f32 v57, v27  }
0x193: {  	v16 =	vadd.f32 v61, v21;
	v46 =	vsub.f32 v46, v53;
	v51 =	vsel vm15, v17, v55  }
0x194: {  	v12 =	vld.idx.msk [tilespmem:v62+s13+$0x0], $0xffff;
	v52 =	vadd.s32 $0x1FF, v51  }
0x195: {  	v44 =	vsub.f32 v16, v44;
	vm4 =	vle.f32 v46, v47;
	v16 =	vld.idx.msk [tilespmem:v33+s13+$0x0], $0xffff  }
0x196: {  	v24 =	vsel vm4, v42, v35  }
0x197: {  	v11 =	vshll.u32 v13, $0x7;
	v54 =	vadd.s32 $0xFFFFFFFF, v24;
	v55 =	vadd.s32 $0x1, v24  }
0x198: {  	v40 =	vsel vm10, v48, v40;
	v32 =	vsel vm10, v32, v49;
	v15 =	vsel vm4, v54, v55  }
0x199: {  	s31 =	sadd.s32 $0xFFFFFFF0, s17;
	v37 =	vsel vm13, v37, v60;
	v9 =	vadd.s32 $0x10, v38;
	v50 =	vsel vm13, v59, v34;
	v62 =	vld.idx.msk [tilespmem:v52+s13+$0x0], $0xffff  }
0x19a: {  	v34 =	vor.u32 s31, v2;
	v63 =	vmul.f32 v12, v12;
	vm8 =	vlt.f32 v16, v29  }
0x19b: {  	v33 =	vsel vm10, v36, v44;
	v24 =	vadd.s32 $0xFFFFFF80, v24;
	v38 =	vsel vm8, v9, v38  }
0x19c: {  	v12 =	vmul.f32 v12, v5;
	[tilespmem:v11+s14+$0x0] =	vst.idx.msk $0xffff, v24;
	v36 =	vadd.f32 v63, v8;
	v13 =	vadd.s32 $0x7, v38  }
0x19d: {  	v57 =	vor.u32 $0xC, v3;
	v17 =	vmul.f32 v43, v43;
	v43 =	vmul.f32 v43, v19;
	v49 =	vld.idx.msk [tilespmem:v15+s13+$0x0], $0xffff  }
0x19e: {  	v36 =	vsub.f32 v36, v12;
	v15 =	vor.u32 $0x200, v51;
	vm9 =	vlt.f32 v62, v27  }
0x19f: {  	v41 =	vsel vm10, v44, v41;
	v45 =	vadd.f32 v17, v20;
	v44 =	vsel vm9, v15, v51  }
0x1a0: {  	v59 =	vsel vm13, v36, v30;
	v60 =	vsel vm13, v39, v36;
	v51 =	vadd.s32 $0xFF, v44  }
0x1a1: {  	vm2 =	vle.f32 v41, v33;
	v42 =	vsel vm4, v54, v42;
	vm3 =	vle.f32 v59, v60;
	v13 =	vld.idx.msk [tilespmem:v13+s13+$0x0], $0xffff  }
0x1a2: {  	v48 =	vsel vm2, v40, v32;
	v15 =	vsel vm3, v50, v37;
	v16 =	vmul.f32 v49, v49  }
0x1a3: {  	v52 =	vadd.s32 $0xFFFFFF80, v48;
	v61 =	vadd.s32 $0xFFFFFFFF, v48;
	v53 =	vadd.s32 $0xFFFFFFFF, v15  }
0x1a4: {  	v62 =	vadd.s32 $0x1, v15;
	v12 =	vmul.f32 v49, v10;
	v17 =	vadd.f32 v16, v14  }
0x1a5: {  	v48 =	vadd.s32 $0x1, v48;
	v63 =	vsel vm3, v53, v62;
	v16 =	vor.u32 $0x6, v4;
	v51 =	vld.idx.msk [tilespmem:v51+s13+$0x0], $0xffff  }
0x1a6: {  	v30 =	vsub.f32 v17, v12;
	v12 =	vadd.s32 $0x8, v38;
	vm10 =	vlt.f32 v13, v29  }
0x1a7: {  	v54 =	vsel vm4, v35, v55;
	v17 =	vsel vm2, v61, v48;
	v55 =	vsel vm10, v12, v38  }
0x1a8: {  	v40 =	vsel vm2, v61, v40;
	v39 =	vor.u32 $0x1, v11;
	v1 =	vadd.s32 $0x3, v55  }
0x1a9: {  	[tilespmem:v57+s14+$0x0] =	vst.idx.msk $0xffff, v52;
	v46 =	vsel vm4, v30, v46;
	v47 =	vsel vm4, v47, v30;
	v13 =	vadd.s32 $0xFFFFFF80, v15  }
0x1aa: {  	v15 =	vor.u32 $0x100, v44;
	vm4 =	vle.f32 v46, v47;
	[tilespmem:v16+s14+$0x0] =	vst.idx.msk $0xffff, v13;
	vm11 =	vlt.f32 v51, v27  }
0x1ab: {  	v16 =	vsub.f32 v45, v43;
	v36 =	vsel vm4, v42, v54;
	v52 =	vld.idx.msk [tilespmem:v63+s13+$0x0], $0xffff;
	v44 =	vsel vm11, v15, v44  }
0x1ac: {  	v9 =	vmovc v4;
	v49 =	vadd.s32 $0xFFFFFFFF, v36;
	v57 =	vadd.s32 $0x1, v36;
	v51 =	vld.idx.msk [tilespmem:v17+s13+$0x0], $0xffff;
	v43 =	vadd.s32 $0x7F, v44  }
0x1ad: {  	v4 =	vsel vm0, v56, v25;
	v17 =	vsel vm0, v28, v58;
	v63 =	vsel vm4, v49, v57;
	v1 =	vld.idx.msk [tilespmem:v1+s13+$0x0], $0xffff  }
0x1ae: {  	v30 =	vsel vm0, v16, v26;
	v38 =	vsel vm0, v31, v16;
	v35 =	vadd.s32 $0xFFFFFF80, v36  }
0x1af: {  	v26 =	vld.idx.msk [tilespmem:v34+s3+$0x0], $0xffff;
	vm1 =	vle.f32 v30, v38;
	[tilespmem:v39+s14+$0x0] =	vst.idx.msk $0xffff, v35;
	v39 =	vsel vm3, v53, v50  }
0x1b0: {  	v49 =	vsel vm4, v49, v42;
	v54 =	vsel vm4, v54, v57;
	v36 =	vmul.f32 v52, v52  }
0x1b1: {  	[tilespmem:$0x1FDE0] =	vst v34;
	v31 =	vsel vm1, v4, v17;
	v34 =	vadd.s32 $0x80, v44;
	v16 =	vmul.f32 v52, v5;
	v43 =	vld.idx.msk [tilespmem:v43+s13+$0x0], $0xffff  }
0x1b2: {  	v15 =	vld.idx.msk [tilespmem:v63+s13+$0x0], $0xffff;
	v28 =	vadd.f32 v36, v8;
	vm12 =	vlt.f32 v1, v29;
	v1 =	vadd.s32 $0x4, v55  }
0x1b3: {  	[tilespmem:$0x1FE50] =	vst v4;
	v56 =	vadd.s32 $0xFFFFFF80, v31;
	v4 =	vadd.s32 $0x1, v31;
	v1 =	vsel vm12, v1, v55  }
0x1b4: {  	vm14 =	vlt.f32 v18, v26;
	v28 =	vsub.f32 v28, v16;
	v55 =	vadd.s32 $0x1, v1  }
0x1b5: {  	v52 =	vor.u32 $0xE, v0;
	v12 =	vmul.f32 v51, v51;
	v53 =	vsel vm14, $0x880, v7  }
0x1b6: {  	v13 =	vadd.s32 $0x3FF, v53;
	v50 =	vsel vm3, v28, v59;
	vm13 =	vlt.f32 v43, v27  }
0x1b7: {  	[tilespmem:$0x1FE70] =	vst v17;
	v59 =	vsel vm3, v60, v28;
	v17 =	vmul.f32 v15, v15;
	v28 =	vsel vm13, v34, v44  }
0x1b8: {  	[tilespmem:$0x1FF80] =	vst v0;
	v0 =	vadd.s32 $0xFFFFFFFF, v31;
	v58 =	vadd.f32 v12, v21;
	v12 =	vadd.s32 $0x3F, v28  }
0x1b9: {  	v51 =	vmul.f32 v51, v22;
	v36 =	vmul.f32 v15, v10;
	v35 =	vadd.f32 v17, v14;
	v16 =	vld.idx.msk [tilespmem:v55+s13+$0x0], $0xffff  }
0x1ba: {  	v18 =	vsel vm3, v37, v62;
	v37 =	vor.u32 $0x2, v11;
	vm3 =	vle.f32 v50, v59  }
0x1bb: {  	v51 =	vsub.f32 v58, v51;
	v15 =	vsel vm3, v39, v18;
	v43 =	vsub.f32 v35, v36  }
0x1bc: {  	v60 =	vld.idx.msk [tilespmem:v13+s13+$0x0], $0xffff;
	v17 =	vsel vm1, v0, v4;
	v58 =	vadd.s32 $0xFFFFFFFF, v15;
	v62 =	vadd.s32 $0x1, v15  }
0x1bd: {  	v31 =	vadd.s32 $0xFFFFFF80, v15;
	v46 =	vsel vm4, v43, v46;
	v47 =	vsel vm4, v47, v43;
	v34 =	vld.idx.msk [tilespmem:v12+s13+$0x0], $0xffff  }
0x1be: {  	vm15 =	vle.f32 v46, v47;
	v12 =	vadd.s32 $0x2, v1;
	vm7 =	vlt.f32 v16, v29  }
0x1bf: {  	v35 =	vor.u32 $0x7, v9;
	v57 =	vsel vm15, v49, v54;
	v1 =	vsel vm7, v12, v1  }
0x1c0: {  	[tilespmem:v52+s14+$0x0] =	vst.idx.msk $0xffff, v56;
	v36 =	vsel vm3, v58, v62;
	v52 =	vadd.s32 $0xFFFFFFFF, v57;
	v56 =	vadd.s32 $0x1, v57  }
0x1c1: {  	vm9 =	vlt.f32 v60, v26;
	v13 =	vsel vm15, v52, v56;
	v16 =	vor.u32 $0x400, v53  }
0x1c2: {  	v15 =	vadd.s32 $0x40, v28;
	v53 =	vsel vm9, v16, v53;
	vm8 =	vlt.f32 v34, v27  }
0x1c3: {  	v33 =	vsel vm2, v33, v51;
	v55 =	vld.idx.msk [tilespmem:v17+s13+$0x0], $0xffff;
	v43 =	vadd.s32 $0x1FF, v53;
	v61 =	vsel vm8, v15, v28  }
0x1c4: {  	v44 =	vsel vm2, v51, v41;
	[tilespmem:v35+s14+$0x0] =	vst.idx.msk $0xffff, v31;
	v17 =	vadd.s32 $0xFFFFFF80, v57;
	v42 =	vadd.s32 $0x1F, v61;
	v28 =	vld.idx.msk [tilespmem:v1+s13+$0x0], $0xffff  }
0x1c5: {  	v32 =	vsel vm2, v32, v48;
	vm0 =	vle.f32 v44, v33;
	v60 =	vld.idx.msk [tilespmem:v36+s13+$0x0], $0xffff;
	[tilespmem:v37+s14+$0x0] =	vst.idx.msk $0xffff, v17  }
0x1c6: {  	v48 =	vsel vm0, v40, v32;
	v41 =	vld.idx.msk [tilespmem:v13+s13+$0x0], $0xffff  }
0x1c7: {  	v45 =	vadd.s32 $0x1, v48;
	v57 =	vadd.s32 $0xFFFFFFFF, v48;
	v36 =	vor.u32 $0xD, v3  }
0x1c8: {  	v24 =	vmovc v8;
	[tilespmem:$0x1FE60] =	vst v0;
	v8 =	vor.u32 s17, v2;
	v2 =	vimm.s32 $0x0;
	v37 =	vsel vm0, v57, v45;
	v0 =	vld.idx.msk [tilespmem:v43+s13+$0x0], $0xffff  }
0x1c9: {  	[tilespmem:$0x1FE80] =	vst v4;
	v48 =	vadd.s32 $0xFFFFFF80, v48;
	v49 =	vsel vm15, v52, v49;
	v4 =	vld.idx.msk [tilespmem:v42+s13+$0x0], $0xffff;
	vm10 =	vlt.f32 v28, v29  }
0x1ca: {  	[tilespmem:$0x1FF90] =	vst v3;
	v25 =	vmovc v5;
	v52 =	vsel vm15, v54, v56;
	v5 =	vsel vm10, $0x1, v2;
	v2 =	vimm.s32 $0x87F  }
0x1cb: {  	v56 =	vsel vm3, v58, v39;
	v15 =	vmovc v3;
	v17 =	vmul.f32 v60, v60;
	v3 =	vmul.f32 v41, v41  }
0x1cc: {  	[tilespmem:v36+s14+$0x0] =	vst.idx.msk $0xffff, v48;
	v60 =	vmul.f32 v60, v25;
	v1 =	vadd.s32 v5, v1  }
0x1cd: {  	v51 =	vld.idx.msk [tilespmem:v37+s13+$0x0], $0xffff;
	v3 =	vadd.f32 v3, v14;
	vm13 =	vlt.f32 v0, v26;
	vm11 =	vlt.s32 v1, v6  }
0x1ce: {  	v28 =	vld.idx.msk [tilespmem:v8+s3+$0x0], $0xffff;
	v42 =	vsel vm11, v1, v6;
	vm12 =	vlt.f32 v4, v27;
	v1 =	vadd.s32 $0x20, v61  }
0x1cf: {  	v0 =	vor.u32 $0x200, v53;
	v4 =	vmul.f32 v41, v10;
	v1 =	vsel vm12, v1, v61;
	v5 =	vld.idx.msk [tilespmem:v2+s13+$0x0], $0xffff  }
0x1d0: {  	v34 =	vadd.f32 v17, v24;
	v0 =	vsel vm13, v0, v53;
	v35 =	vadd.s32 $0xF, v1  }
0x1d1: {  	v16 =	vmul.f32 v55, v55;
	v3 =	vsub.f32 v3, v4;
	v4 =	vadd.s32 $0xFF, v0  }
0x1d2: {  	v58 =	vsel vm3, v18, v62;
	v19 =	vmul.f32 v55, v19;
	v48 =	vsub.f32 v34, v60  }
0x1d3: {  	v20 =	vadd.f32 v16, v20;
	v17 =	vor.u32 $0x3, v11;
	v36 =	vmul.f32 v51, v51  }
0x1d4: {  	v50 =	vsel vm3, v48, v50;
	v43 =	vadd.s32 $0xFFFFFFFF, v42;
	vm14 =	vlt.f32 v5, v28  }
0x1d5: {  	[tilespmem:$0x1FDF0] =	vst v8;
	v60 =	vsel vm15, v3, v46;
	v3 =	vsel vm15, v47, v3;
	v54 =	vld.idx.msk [tilespmem:v35+s13+$0x0], $0xffff;
	v5 =	vsel vm14, $0x880, v7  }
0x1d6: {  	v8 =	vmovc v14;
	v39 =	vmul.f32 v51, v22;
	vm15 =	vle.f32 v60, v3;
	v4 =	vld.idx.msk [tilespmem:v4+s13+$0x0], $0xffff;
	v37 =	vadd.s32 $0x3FF, v5  }
0x1d7: {  	v14 =	vmovc v10;
	v53 =	vadd.f32 v36, v21;
	v36 =	vmul.f32 v29, v29;
	v10 =	vsel vm15, v49, v52  }
0x1d8: {  	v41 =	vsub.f32 v20, v19;
	v61 =	vadd.s32 $0xFFFFFFFF, v10;
	v63 =	vadd.s32 $0x1, v10  }
0x1d9: {  	v12 =	vmovc v6;
	v53 =	vsub.f32 v53, v39;
	v20 =	vadd.s32 $0x10, v1;
	v13 =	vld.idx.msk [tilespmem:v42+s13+$0x0], $0xffff;
	v6 =	vsel vm15, v61, v63  }
0x1da: {  	v46 =	vsel vm3, v59, v48;
	v47 =	vld.idx.msk [tilespmem:v43+s13+$0x0], $0xffff;
	v16 =	vadd.s32 $0xFFFFFF80, v10;
	vm7 =	vlt.f32 v54, v27  }
0x1db: {  	vm8 =	vlt.f32 v4, v26;
	v4 =	vor.u32 $0x100, v0;
	v1 =	vsel vm7, v20, v1;
	v55 =	vld.idx.msk [tilespmem:v37+s13+$0x0], $0xffff  }
0x1dc: {  	v35 =	vadd.f32 v29, v29;
	v0 =	vsel vm8, v4, v0;
	v29 =	vadd.s32 $0x7, v1  }
0x1dd: {  	v39 =	vsel vm0, v53, v44;
	vm2 =	vle.f32 v50, v46;
	[tilespmem:v17+s14+$0x0] =	vst.idx.msk $0xffff, v16;
	v48 =	vadd.s32 $0x7F, v0  }
0x1de: {  	v38 =	vsel vm1, v38, v41;
	v59 =	vor.u32 $0x8, v9;
	v18 =	vsel vm2, v56, v58;
	v6 =	vld.idx.msk [tilespmem:v6+s13+$0x0], $0xffff  }
0x1df: {  	v51 =	vadd.s32 $0xFFFFFFFF, v18;
	v34 =	vmul.f32 v13, v13;
	v2 =	vmul.f32 v47, v47  }
0x1e0: {  	v47 =	vmul.f32 v47, v35;
	v4 =	vor.u32 $0x400, v5;
	vm9 =	vlt.f32 v55, v28  }
0x1e1: {  	v54 =	vadd.s32 $0x1, v18;
	v2 =	vadd.f32 v2, v36;
	v29 =	vld.idx.msk [tilespmem:v29+s13+$0x0], $0xffff;
	v4 =	vsel vm9, v4, v5  }
0x1e2: {  	v62 =	vsel vm2, v51, v54;
	v37 =	vmul.f32 v13, v35;
	v48 =	vld.idx.msk [tilespmem:v48+s13+$0x0], $0xffff;
	v13 =	vadd.s32 $0x1FF, v4  }
0x1e3: {  	v51 =	vsel vm2, v51, v56;
	v5 =	vadd.f32 v34, v36;
	v34 =	vmul.f32 v6, v6  }
0x1e4: {  	v10 =	vsub.f32 v2, v47;
	v47 =	vadd.s32 $0xFFFFFF80, v18;
	v18 =	vadd.s32 $0x80, v0  }
0x1e5: {  	v17 =	vmovc v8;
	v6 =	vmul.f32 v6, v14;
	v5 =	vsub.f32 v5, v37;
	v8 =	vadd.f32 v34, v8  }
0x1e6: {  	v37 =	vadd.s32 $0x8, v1;
	v34 =	vshll.u32 v23, $0x7;
	v23 =	vsel vm1, v41, v30  }
0x1e7: {  	vm10 =	vle.f32 v10, v5;
	vm5 =	vlt.f32 v29, v27;
	vm11 =	vlt.f32 v48, v26;
	v55 =	vld.idx.msk [tilespmem:v13+s13+$0x0], $0xffff  }
0x1e8: {  	v6 =	vsub.f32 v8, v6;
	v48 =	vsel vm15, v52, v63;
	v1 =	vsel vm5, v37, v1  }
0x1e9: {  	[tilespmem:v59+s14+$0x0] =	vst.idx.msk $0xffff, v47;
	v7 =	vsel vm10, v43, v42;
	v47 =	vsel vm11, v18, v0;
	v16 =	vadd.s32 $0x3, v1  }
0x1ea: {  	v31 =	vmovc v11;
	v11 =	vmovc v9;
	v0 =	vor.u32 $0x200, v4;
	v9 =	vadd.s32 $0xFFFFFFFF, v7;
	v2 =	vadd.s32 $0x1, v7  }
0x1eb: {  	v19 =	vadd.s32 $0x3F, v47;
	v7 =	vadd.s32 $0xFFFFFF80, v7;
	v44 =	vsel vm15, v6, v60  }
0x1ec: {  	v3 =	vsel vm15, v3, v6;
	v13 =	vsel vm10, v9, v2;
	vm12 =	vlt.f32 v55, v28  }
0x1ed: {  	[tilespmem:v34+s14+$0x0] =	vst.idx.msk $0xffff, v7;
	v7 =	vsel vm15, v61, v49;
	v4 =	vsel vm12, v0, v4  }
0x1ee: {  	vm13 =	vle.f32 v44, v3;
	v61 =	vor.u32 $0x4, v31;
	v6 =	vld.idx.msk [tilespmem:v16+s13+$0x0], $0xffff;
	v8 =	vadd.s32 $0xFF, v4  }
0x1ef: {  	v9 =	vsel vm10, v9, v43;
	v2 =	vsel vm10, v42, v2;
	v49 =	vsel vm13, v7, v48;
	v55 =	vld.idx.msk [tilespmem:v62+s13+$0x0], $0xffff  }
0x1f0: {  	v59 =	vadd.s32 $0x1, v49;
	v60 =	vld.idx.msk [tilespmem:v19+s13+$0x0], $0xffff;
	v0 =	vsel vm0, v57, v40;
	v57 =	vadd.s32 $0xFFFFFFFF, v49  }
0x1f1: {  	v48 =	vsel vm13, v48, v59;
	v62 =	vsel vm0, v32, v45;
	v63 =	vsel vm13, v57, v59  }
0x1f2: {  	v19 =	vadd.s32 $0x40, v47;
	v29 =	vld.idx.msk [tilespmem:v13+s13+$0x0], $0xffff;
	v40 =	vsel vm0, v33, v53;
	v13 =	vadd.s32 $0xFFFFFF80, v49  }
0x1f3: {  	vm0 =	vle.f32 v39, v40;
	vm14 =	vlt.f32 v6, v27;
	v6 =	vadd.s32 $0x4, v1;
	v8 =	vld.idx.msk [tilespmem:v8+s13+$0x0], $0xffff  }
0x1f4: {  	[tilespmem:v61+s14+$0x0] =	vst.idx.msk $0xffff, v13;
	v13 =	vor.u32 $0x1, v34;
	v7 =	vsel vm13, v57, v7;
	v1 =	vsel vm14, v6, v1  }
0x1f5: {  	v37 =	vmul.f32 v55, v55;
	vm15 =	vlt.f32 v60, v26;
	v6 =	vadd.s32 $0x1, v1  }
0x1f6: {  	v20 =	vmul.f32 v55, v25;
	v55 =	vsel vm0, v0, v62;
	v60 =	vor.u32 $0xE, v15;
	v52 =	vld.idx.msk [tilespmem:v63+s13+$0x0], $0xffff  }
0x1f7: {  	v16 =	vmul.f32 v29, v29;
	v45 =	vsel vm15, v19, v47;
	v33 =	vadd.f32 v37, v24  }
0x1f8: {  	v29 =	vmul.f32 v29, v35;
	vm8 =	vlt.f32 v8, v28;
	v8 =	vor.u32 $0x100, v4  }
0x1f9: {  	v32 =	vadd.s32 $0x1F, v45;
	v47 =	vsub.f32 v33, v20;
	v4 =	vsel vm8, v8, v4  }
0x1fa: {  	[tilespmem:$0x1FEF0] =	vst v0;
	v0 =	vadd.s32 $0xFFFFFFFF, v55;
	v6 =	vld.idx.msk [tilespmem:v6+s13+$0x0], $0xffff;
	v8 =	vadd.f32 v16, v36;
	v37 =	vadd.s32 $0x7F, v4  }
0x1fb: {  	v50 =	vsel vm2, v47, v50;
	v46 =	vsel vm2, v46, v47;
	v18 =	vmul.f32 v52, v52  }
0x1fc: {  	v63 =	vadd.s32 $0x1, v55;
	vm12 =	vle.f32 v50, v46;
	v8 =	vsub.f32 v8, v29  }
0x1fd: {  	v16 =	vmul.f32 v52, v14;
	v20 =	vadd.f32 v18, v17;
	v29 =	vsel vm0, v0, v63  }
0x1fe: {  	[tilespmem:$0x1FF00] =	vst v0;
	v0 =	vimm.s32 $0x0;
	v10 =	vsel vm10, v8, v10;
	v5 =	vsel vm10, v5, v8;
	v8 =	vld.idx.msk [tilespmem:v32+s13+$0x0], $0xffff  }
0x1ff: {  	v42 =	vsub.f32 v20, v16;
	vm9 =	vlt.f32 v6, v27;
	v6 =	vadd.s32 $0x2, v1;
	v19 =	vld.idx.msk [tilespmem:v37+s13+$0x0], $0xffff  }
0x200: {  	v20 =	vor.u32 $0x9, v11;
	vm5 =	vle.f32 v10, v5;
	v1 =	vsel vm9, v6, v1  }
0x201: {  	v6 =	vadd.s32 $0x20, v45;
	v44 =	vsel vm13, v42, v44;
	v37 =	vsel vm5, v9, v2  }
0x202: {  	v3 =	vsel vm13, v3, v42;
	v53 =	vadd.s32 $0xFFFFFFFF, v37;
	v56 =	vadd.s32 $0x1, v37  }
0x203: {  	vm4 =	vle.f32 v44, v3;
	v15 =	vsel vm5, v53, v56;
	vm10 =	vlt.f32 v8, v26  }
0x204: {  	v8 =	vadd.s32 $0x80, v4;
	v6 =	vsel vm10, v6, v45;
	vm11 =	vlt.f32 v19, v28  }
0x205: {  	v16 =	vsel vm4, v7, v48;
	v45 =	vadd.s32 $0xF, v6;
	v4 =	vsel vm11, v8, v4  }
0x206: {  	v32 =	vld.idx.msk [tilespmem:v1+s13+$0x0], $0xffff;
	v19 =	vadd.s32 $0xFFFFFF80, v37;
	v8 =	vsel vm2, v58, v54;
	v18 =	vadd.s32 $0x3F, v4  }
0x207: {  	v57 =	vadd.s32 $0x1, v16;
	v9 =	vsel vm5, v53, v9;
	[tilespmem:v13+s14+$0x0] =	vst.idx.msk $0xffff, v19;
	v54 =	vsel vm12, v51, v8  }
0x208: {  	[tilespmem:$0x1FF10] =	vst v62;
	v2 =	vsel vm5, v2, v56;
	v61 =	vld.idx.msk [tilespmem:v15+s13+$0x0], $0xffff;
	v58 =	vadd.s32 $0xFFFFFFFF, v54;
	v62 =	vadd.s32 $0x1, v54  }
0x209: {  	v48 =	vsel vm4, v48, v57;
	v47 =	vadd.s32 $0x10, v6;
	v49 =	vsel vm12, v58, v62  }
0x20a: {  	vm2 =	vle.f32 v23, v38;
	v23 =	vor.u32 $0xA, v11;
	v15 =	vadd.s32 $0xFFFFFF80, v55;
	v13 =	vld.idx.msk [tilespmem:v45+s13+$0x0], $0xffff  }
0x20b: {  	v55 =	vadd.s32 $0xFFFFFFFF, v16;
	[tilespmem:v60+s14+$0x0] =	vst.idx.msk $0xffff, v15;
	v54 =	vadd.s32 $0xFFFFFF80, v54;
	vm13 =	vlt.f32 v32, v27;
	v52 =	vld.idx.msk [tilespmem:v18+s13+$0x0], $0xffff  }
0x20c: {  	v19 =	vsel vm4, v55, v57;
	v7 =	vsel vm4, v55, v7;
	v29 =	vld.idx.msk [tilespmem:v29+s13+$0x0], $0xffff;
	v37 =	vsel vm13, $0x1, v0  }
0x20d: {  	[tilespmem:v20+s14+$0x0] =	vst.idx.msk $0xffff, v54;
	v1 =	vadd.s32 v37, v1;
	v18 =	vor.u32 $0x5, v31;
	v32 =	vmul.f32 v61, v61  }
0x20e: {  	v20 =	vadd.s32 $0xFFFFFF80, v16;
	v54 =	vadd.s32 $0x40, v4;
	vm6 =	vlt.s32 v1, v12;
	v49 =	vld.idx.msk [tilespmem:v49+s13+$0x0], $0xffff  }
0x20f: {  	v42 =	vsel vm6, v1, v12;
	v45 =	vadd.f32 v32, v36;
	vm14 =	vlt.f32 v13, v26  }
0x210: {  	v43 =	vadd.s32 $0xFFFFFFFF, v42;
	v6 =	vsel vm14, v47, v6;
	vm15 =	vlt.f32 v52, v28  }
0x211: {  	v30 =	vmovc v24;
	[tilespmem:$0x1FF20] =	vst v63;
	v13 =	vmul.f32 v61, v35;
	v60 =	vadd.s32 $0x7, v6;
	v4 =	vsel vm15, v54, v4  }
0x212: {  	v8 =	vsel vm12, v8, v62;
	v63 =	vmul.f32 v29, v29;
	[tilespmem:v18+s14+$0x0] =	vst.idx.msk $0xffff, v20;
	v1 =	vadd.s32 $0x1F, v4  }
0x213: {  	v0 =	vmul.f32 v27, v27;
	v16 =	vsub.f32 v45, v13;
	v52 =	vld.idx.msk [tilespmem:v19+s13+$0x0], $0xffff;
	v15 =	vmul.f32 v49, v49  }
0x214: {  	v29 =	vmul.f32 v29, v22;
	v38 =	vadd.f32 v63, v21;
	v47 =	vsel vm12, v58, v51;
	v37 =	vld.idx.msk [tilespmem:v42+s13+$0x0], $0xffff  }
0x215: {  	v10 =	vsel vm5, v16, v10;
	v5 =	vsel vm5, v5, v16;
	v21 =	vadd.f32 v15, v24;
	v24 =	vld.idx.msk [tilespmem:v43+s13+$0x0], $0xffff  }
0x216: {  	v13 =	vadd.s32 $0x8, v6;
	v18 =	vmul.f32 v49, v25;
	vm9 =	vle.f32 v10, v5;
	v41 =	vld.idx.msk [tilespmem:v60+s13+$0x0], $0xffff  }
0x217: {  	v54 =	vor.u32 $0x2, v34;
	v29 =	vsub.f32 v38, v29;
	v51 =	vsel vm9, v9, v2;
	v1 =	vld.idx.msk [tilespmem:v1+s13+$0x0], $0xffff  }
0x218: {  	v19 =	vmul.f32 v52, v52;
	v21 =	vsub.f32 v21, v18;
	v18 =	vadd.f32 v27, v27  }
0x219: {  	v56 =	vadd.s32 $0xFFFFFFFF, v51;
	v58 =	vadd.s32 $0x1, v51;
	v52 =	vmul.f32 v52, v14  }
0x21a: {  	v16 =	vsel vm9, v56, v58;
	v45 =	vadd.f32 v19, v17;
	v53 =	vmul.f32 v37, v18  }
0x21b: {  	v27 =	vsel vm12, v46, v21;
	v15 =	vmul.f32 v24, v24;
	vm10 =	vlt.f32 v41, v26  }
0x21c: {  	v6 =	vsel vm10, v13, v6;
	vm11 =	vlt.f32 v1, v28;
	v1 =	vadd.s32 $0x20, v4  }
0x21d: {  	v49 =	vmul.f32 v24, v18;
	v59 =	vadd.s32 $0x3, v6;
	v1 =	vsel vm11, v1, v4  }
0x21e: {  	v22 =	vmovc v14;
	v4 =	vmul.f32 v37, v37;
	v37 =	vsub.f32 v45, v52;
	v52 =	vadd.s32 $0xFFFFFF80, v51  }
0x21f: {  	v41 =	vsel vm12, v21, v50;
	v19 =	vadd.f32 v15, v0;
	v60 =	vadd.s32 $0xF, v1;
	[tilespmem:v54+s14+$0x0] =	vst.idx.msk $0xffff, v52  }
0x220: {  	v9 =	vsel vm9, v56, v9;
	vm3 =	vle.f32 v41, v27;
	v4 =	vadd.f32 v4, v0;
	v63 =	vld.idx.msk [tilespmem:v16+s13+$0x0], $0xffff  }
0x221: {  	v14 =	vmovc v0;
	v2 =	vsel vm9, v2, v58;
	v46 =	vsub.f32 v19, v49;
	v45 =	vsel vm3, v47, v8;
	v0 =	vld [tilespmem:$0x1FDD0]  }
0x222: {  	v44 =	vsel vm4, v37, v44;
	v3 =	vsel vm4, v3, v37;
	v4 =	vsub.f32 v4, v53;
	v59 =	vld.idx.msk [tilespmem:v59+s13+$0x0], $0xffff  }
0x223: {  	v15 =	vadd.s32 $0x4, v6;
	v56 =	vadd.s32 $0x1, v45;
	vm4 =	vle.f32 v44, v3  }
0x224: {  	v16 =	vadd.s32 $0x10, v1;
	v55 =	vsel vm4, v7, v48;
	v62 =	vld.idx.msk [tilespmem:v60+s13+$0x0], $0xffff;
	vm12 =	vle.f32 v46, v4  }
0x225: {  	v61 =	vadd.s32 $0x1, v55;
	v60 =	vadd.s32 $0xFFFFFFFF, v55;
	v13 =	vsel vm12, v43, v42  }
0x226: {  	v37 =	vshll.u32 v0, $0x7;
	v24 =	vadd.s32 $0xFFFFFFFF, v13;
	v53 =	vadd.s32 $0x1, v13  }
0x227: {  	v19 =	vmul.f32 v63, v63;
	v52 =	vsel vm12, v24, v53;
	vm7 =	vlt.f32 v59, v26  }
0x228: {  	v50 =	vmul.f32 v63, v35;
	v51 =	vadd.s32 $0xFFFFFF80, v13;
	v6 =	vsel vm7, v15, v6  }
0x229: {  	v59 =	vor.u32 $0x6, v31;
	vm13 =	vlt.f32 v62, v28;
	v20 =	vadd.s32 $0x1, v6  }
0x22a: {  	v49 =	vadd.f32 v19, v36;
	v19 =	vsel vm4, v60, v61;
	v1 =	vsel vm13, v16, v1  }
0x22b: {  	v24 =	vsel vm12, v24, v43;
	v42 =	vsel vm12, v42, v53;
	[tilespmem:v37+s14+$0x0] =	vst.idx.msk $0xffff, v51;
	v21 =	vadd.s32 $0x7, v1  }
0x22c: {  	v55 =	vadd.s32 $0xFFFFFF80, v55;
	v15 =	vmovc v11;
	v11 =	vsel vm4, v60, v7;
	v49 =	vsub.f32 v49, v50;
	v50 =	vld.idx.msk [tilespmem:v52+s13+$0x0], $0xffff  }
0x22d: {  	v16 =	vsel vm0, v29, v39;
	v29 =	vsel vm0, v40, v29;
	v40 =	vsel vm3, v8, v56  }
0x22e: {  	v38 =	vadd.s32 $0x2, v6;
	v10 =	vsel vm9, v49, v10;
	v52 =	vadd.s32 $0xFFFFFFFF, v45;
	[tilespmem:v59+s14+$0x0] =	vst.idx.msk $0xffff, v55;
	v54 =	vld.idx.msk [tilespmem:v20+s13+$0x0], $0xffff  }
0x22f: {  	v5 =	vsel vm9, v5, v49;
	v13 =	vadd.s32 $0x8, v1;
	v51 =	vld.idx.msk [tilespmem:v19+s13+$0x0], $0xffff;
	v20 =	vsel vm3, v52, v56  }
0x230: {  	vm14 =	vle.f32 v10, v5;
	v52 =	vsel vm3, v52, v47;
	v57 =	vld.idx.msk [tilespmem:v21+s13+$0x0], $0xffff;
	v21 =	vadd.s32 $0xFFFFFF80, v45  }
0x231: {  	v55 =	vor.u32 $0x3, v34;
	v45 =	vsel vm14, v9, v2;
	[tilespmem:v23+s14+$0x0] =	vst.idx.msk $0xffff, v21;
	v23 =	vmul.f32 v50, v50  }
0x232: {  	v58 =	vadd.s32 $0xFFFFFFFF, v45;
	v59 =	vadd.s32 $0x1, v45;
	v50 =	vmul.f32 v50, v18  }
0x233: {  	v62 =	vsel vm14, v58, v59;
	vm15 =	vlt.f32 v54, v26;
	v19 =	vadd.f32 v23, v14  }
0x234: {  	[tilespmem:$0x1FE30] =	vst v16;
	v45 =	vadd.s32 $0xFFFFFF80, v45;
	v16 =	vmul.f32 v51, v22;
	v49 =	vld.idx.msk [tilespmem:v20+s13+$0x0], $0xffff;
	v6 =	vsel vm15, v38, v6  }
0x235: {  	v38 =	vmul.f32 v51, v51;
	vm8 =	vlt.f32 v57, v28;
	v63 =	vsub.f32 v19, v50  }
0x236: {  	[tilespmem:$0x1FE40] =	vst v29;
	v9 =	vsel vm14, v58, v9;
	v23 =	vor.u32 $0x1, v37;
	v1 =	vsel vm8, v13, v1  }
0x237: {  	[tilespmem:v55+s14+$0x0] =	vst.idx.msk $0xffff, v45;
	v57 =	vadd.s32 $0x3, v1;
	v54 =	vsel vm12, v63, v46;
	v4 =	vsel vm12, v4, v63  }
0x238: {  	v7 =	vsel vm14, v2, v59;
	v29 =	vadd.f32 v38, v17;
	v13 =	vld.idx.msk [tilespmem:v62+s13+$0x0], $0xffff;
	vm9 =	vle.f32 v54, v4  }
0x239: {  	v8 =	vmul.f32 v49, v49;
	v38 =	vmov v22;
	v19 =	vld.idx.msk [tilespmem:v6+s13+$0x0], $0xffff;
	v22 =	vsel vm9, v24, v42  }
0x23a: {  	v29 =	vsub.f32 v29, v16;
	v53 =	vadd.s32 $0xFFFFFFFF, v22;
	v55 =	vadd.s32 $0x1, v22  }
0x23b: {  	[tilespmem:$0x1FF40] =	vst v25;
	v32 =	vmovc v25;
	v49 =	vmul.f32 v49, v25;
	v50 =	vadd.s32 $0xFFFFFF80, v22;
	v25 =	vsel vm9, v53, v55  }
0x23c: {  	v0 =	vimm.s32 $0x0;
	v8 =	vadd.f32 v8, v30;
	v45 =	vsel vm4, v29, v44;
	[tilespmem:v23+s14+$0x0] =	vst.idx.msk $0xffff, v50;
	v20 =	vld.idx.msk [tilespmem:v57+s13+$0x0], $0xffff  }
0x23d: {  	v50 =	vsel vm4, v48, v61;
	v53 =	vsel vm9, v53, v24;
	v23 =	vadd.f32 v26, v26  }
0x23e: {  	v39 =	vmul.f32 v13, v13;
	v57 =	vadd.s32 $0x4, v1;
	vm10 =	vlt.f32 v19, v26  }
0x23f: {  	v62 =	vmul.f32 v13, v35;
	v8 =	vsub.f32 v8, v49;
	v46 =	vsel vm10, $0x1, v0  }
0x240: {  	v60 =	vadd.f32 v39, v36;
	v19 =	vor.u32 $0x7, v31;
	v6 =	vadd.s32 v46, v6;
	v63 =	vld.idx.msk [tilespmem:v25+s13+$0x0], $0xffff  }
0x241: {  	v46 =	vsel vm4, v3, v29;
	vm11 =	vlt.f32 v20, v28;
	vm12 =	vlt.s32 v6, v12  }
0x242: {  	v29 =	vsub.f32 v60, v62;
	v1 =	vsel vm11, v57, v1;
	v6 =	vsel vm12, v6, v12  }
0x243: {  	vm4 =	vle.f32 v45, v46;
	v20 =	vmul.f32 v26, v26;
	v3 =	vadd.s32 $0x1, v1  }
0x244: {  	v16 =	vsel vm4, v11, v50;
	v10 =	vsel vm14, v29, v10;
	v5 =	vsel vm14, v5, v29  }
0x245: {  	v0 =	vld [tilespmem:$0x1FDE0];
	v56 =	vadd.s32 $0xFFFFFFFF, v6;
	v48 =	vadd.s32 $0xFFFFFFFF, v16;
	v25 =	vmul.f32 v63, v63  }
0x246: {  	v51 =	vadd.s32 $0x1, v16;
	vm5 =	vle.f32 v10, v5;
	v47 =	vadd.s32 $0xFFFFFF80, v16  }
0x247: {  	v49 =	vsel vm4, v48, v51;
	v44 =	vmul.f32 v63, v18;
	v29 =	vadd.f32 v25, v14;
	v16 =	vld.idx.msk [tilespmem:v6+s13+$0x0], $0xffff  }
0x248: {  	v61 =	vor.u32 $0x4, v34;
	v39 =	vsel vm5, v9, v7;
	[tilespmem:v19+s14+$0x0] =	vst.idx.msk $0xffff, v47;
	v19 =	vor.u32 $0x2, v37;
	v3 =	vld.idx.msk [tilespmem:v3+s13+$0x0], $0xffff  }
0x249: {  	v62 =	vadd.s32 $0xFFFFFFFF, v39;
	v57 =	vadd.s32 $0x1, v39;
	v29 =	vsub.f32 v29, v44  }
0x24a: {  	v24 =	vshll.u32 v0, $0x7;
	v50 =	vsel vm4, v50, v51;
	v25 =	vsel vm5, v62, v57;
	v13 =	vld.idx.msk [tilespmem:v56+s13+$0x0], $0xffff  }
0x24b: {  	v59 =	vadd.s32 $0xFFFFFF80, v39;
	v2 =	vsel vm9, v29, v54;
	v4 =	vsel vm9, v4, v29  }
0x24c: {  	v49 =	vld.idx.msk [tilespmem:v49+s13+$0x0], $0xffff;
	v54 =	vsel vm9, v42, v55;
	v42 =	vmul.f32 v28, v28;
	v63 =	vmul.f32 v16, v16  }
0x24d: {  	[tilespmem:v61+s14+$0x0] =	vst.idx.msk $0xffff, v59;
	vm14 =	vle.f32 v2, v4;
	vm13 =	vlt.f32 v3, v28;
	v3 =	vadd.s32 $0x2, v1  }
0x24e: {  	v22 =	vmovc v14;
	v14 =	vmul.f32 v16, v23;
	v16 =	vsel vm3, v8, v41;
	v1 =	vsel vm13, v3, v1  }
0x24f: {  	v59 =	vld.idx.msk [tilespmem:v25+s13+$0x0], $0xffff;
	v25 =	vsel vm4, v48, v11;
	v39 =	vmul.f32 v13, v13;
	v29 =	vadd.f32 v63, v20  }
0x250: {  	v13 =	vmul.f32 v13, v23;
	v41 =	vsel vm14, v53, v54;
	v3 =	vimm.s32 $0x0  }
0x251: {  	v26 =	vmul.f32 v49, v38;
	v44 =	vadd.f32 v39, v20;
	v29 =	vsub.f32 v29, v14  }
0x252: {  	v14 =	vsel vm3, v27, v8;
	v8 =	vadd.s32 $0xFFFFFFFF, v41;
	v27 =	vadd.s32 $0x1, v41  }
0x253: {  	v21 =	vmovc v18;
	v41 =	vadd.s32 $0xFFFFFF80, v41;
	v61 =	vsub.f32 v44, v13;
	v44 =	vmul.f32 v49, v49;
	v18 =	vld.idx.msk [tilespmem:v1+s13+$0x0], $0xffff  }
0x254: {  	[tilespmem:$0x1FFA0] =	vst v15;
	v55 =	vsel vm14, v8, v27;
	v13 =	vmul.f32 v59, v59;
	vm3 =	vle.f32 v16, v14  }
0x255: {  	[tilespmem:$0x1FE00] =	vst v16;
	v43 =	vmul.f32 v59, v35;
	v16 =	vsel vm5, v62, v9;
	vm15 =	vle.f32 v61, v29  }
0x256: {  	[tilespmem:$0x1FE10] =	vst v14;
	v62 =	vor.u32 $0xB, v15;
	v39 =	vmovc v15;
	v15 =	vsel vm5, v7, v57;
	v63 =	vsel vm15, v56, v6  }
0x257: {  	[tilespmem:v19+s14+$0x0] =	vst.idx.msk $0xffff, v41;
	v14 =	vsel vm14, v8, v53;
	v58 =	vadd.s32 $0xFFFFFFFF, v63;
	v0 =	vadd.s32 $0x1, v63  }
0x258: {  	v53 =	vsel vm14, v54, v27;
	vm11 =	vlt.f32 v18, v28;
	v18 =	vsel vm15, v58, v0  }
0x259: {  	v11 =	vsel vm3, v52, v40;
	v41 =	vadd.f32 v13, v36;
	v55 =	vld.idx.msk [tilespmem:v55+s13+$0x0], $0xffff;
	v19 =	vsel vm11, $0x1, v3  }
0x25a: {  	v44 =	vadd.f32 v44, v17;
	v60 =	vadd.s32 $0xFFFFFF80, v11;
	v1 =	vadd.s32 v19, v1  }
0x25b: {  	v63 =	vadd.s32 $0xFFFFFF80, v63;
	v41 =	vsub.f32 v41, v43;
	vm12 =	vlt.s32 v1, v12  }
0x25c: {  	v9 =	vadd.s32 $0xFFFFFFFF, v11;
	v43 =	vadd.f32 v28, v28;
	[tilespmem:v24+s14+$0x0] =	vst.idx.msk $0xffff, v63;
	v48 =	vsel vm12, v1, v12  }
0x25d: {  	v33 =	vmovc v17;
	v56 =	vsel vm15, v58, v56;
	v17 =	vsel vm5, v41, v10;
	v47 =	vld.idx.msk [tilespmem:v18+s13+$0x0], $0xffff;
	v49 =	vadd.s32 $0xFFFFFFFF, v48  }
0x25e: {  	v3 =	vsel vm3, v9, v52;
	v1 =	vsub.f32 v44, v26;
	v26 =	vmul.f32 v55, v55  }
0x25f: {  	v44 =	vadd.s32 $0x1, v11;
	v55 =	vmul.f32 v55, v21;
	v18 =	vsel vm5, v5, v41  }
0x260: {  	v57 =	vsel vm3, v9, v44;
	v9 =	vsel vm15, v6, v0;
	vm5 =	vle.f32 v17, v18  }
0x261: {  	v41 =	vor.u32 $0x5, v34;
	v10 =	vadd.f32 v26, v22;
	v13 =	vsel vm5, v16, v15;
	v26 =	vld.idx.msk [tilespmem:v48+s13+$0x0], $0xffff  }
0x262: {  	v51 =	vsel vm4, v1, v45;
	v59 =	vadd.s32 $0xFFFFFFFF, v13;
	v11 =	vmul.f32 v47, v47;
	v12 =	vld.idx.msk [tilespmem:v49+s13+$0x0], $0xffff  }
0x263: {  	v52 =	vsub.f32 v10, v55;
	v55 =	vadd.s32 $0x1, v13;
	v16 =	vsel vm5, v59, v16  }
0x264: {  	v15 =	vsel vm5, v15, v55;
	v47 =	vmul.f32 v47, v23;
	v27 =	vadd.f32 v11, v20  }
0x265: {  	v10 =	vsel vm14, v52, v2;
	v11 =	vsel vm14, v4, v52;
	v52 =	vadd.s32 $0xFFFFFF80, v13  }
0x266: {  	vm13 =	vle.f32 v10, v11;
	v6 =	vsub.f32 v27, v47;
	v0 =	vmul.f32 v26, v26  }
0x267: {  	v27 =	vsel vm13, v14, v53;
	v58 =	vmul.f32 v26, v43;
	v19 =	vmul.f32 v12, v12  }
0x268: {  	[tilespmem:v62+s14+$0x0] =	vst.idx.msk $0xffff, v60;
	v54 =	vmul.f32 v12, v43;
	v12 =	vor.u32 $0x3, v37;
	v62 =	vadd.s32 $0xFFFFFFFF, v27  }
0x269: {  	v28 =	vadd.s32 $0xFFFFFF80, v27;
	v60 =	vsel vm15, v6, v61;
	v13 =	vsel vm15, v29, v6  }
0x26a: {  	v57 =	vld.idx.msk [tilespmem:v57+s13+$0x0], $0xffff;
	v6 =	vadd.s32 $0x1, v27;
	v47 =	vadd.f32 v19, v42;
	v19 =	vsel vm5, v59, v55  }
0x26b: {  	[tilespmem:v41+s14+$0x0] =	vst.idx.msk $0xffff, v52;
	v0 =	vadd.f32 v0, v42;
	v29 =	vor.u32 $0x1, v24;
	vm7 =	vle.f32 v60, v13  }
0x26c: {  	v14 =	vsel vm13, v62, v14;
	v41 =	vsel vm13, v62, v6;
	v26 =	vsel vm7, v56, v9  }
0x26d: {  	v47 =	vsub.f32 v47, v54;
	v52 =	vadd.s32 $0xFFFFFFFF, v26;
	v5 =	vadd.s32 $0x1, v26  }
0x26e: {  	[tilespmem:v12+s14+$0x0] =	vst.idx.msk $0xffff, v28;
	v12 =	vsub.f32 v0, v58;
	v0 =	vsel vm7, v52, v5  }
0x26f: {  	v6 =	vsel vm13, v53, v6;
	v28 =	vmul.f32 v57, v57;
	v57 =	vmul.f32 v57, v32;
	v54 =	vld.idx.msk [tilespmem:v19+s13+$0x0], $0xffff  }
0x270: {  	v5 =	vsel vm7, v9, v5;
	v19 =	vsel vm4, v46, v1;
	vm14 =	vle.f32 v47, v12;
	v1 =	vld [tilespmem:$0x1FDF0]  }
0x271: {  	[tilespmem:$0x1FF30] =	vst v30;
	v45 =	vadd.f32 v28, v30;
	v46 =	vld.idx.msk [tilespmem:v41+s13+$0x0], $0xffff;
	v30 =	vadd.s32 $0xFFFFFF80, v26;
	v41 =	vsel vm14, v49, v48  }
0x272: {  	v26 =	vor.u32 $0x8, v31;
	vm4 =	vle.f32 v51, v19;
	[tilespmem:v29+s14+$0x0] =	vst.idx.msk $0xffff, v30;
	v29 =	vadd.s32 $0xFFFFFFFF, v41  }
0x273: {  	[tilespmem:$0x1FE20] =	vst v3;
	v58 =	vadd.s32 $0x1, v41;
	v45 =	vsub.f32 v45, v57;
	v3 =	vld.idx.msk [tilespmem:v0+s13+$0x0], $0xffff;
	v0 =	vsel vm4, v25, v50  }
0x274: {  	v4 =	vsel vm14, v29, v58;
	v29 =	vsel vm14, v29, v49;
	v48 =	vsel vm14, v48, v58  }
0x275: {  	v7 =	vadd.s32 $0xFFFFFFFF, v0;
	v28 =	vshll.u32 v1, $0x7;
	v2 =	vmul.f32 v54, v54  }
0x276: {  	v8 =	vadd.s32 $0x1, v0;
	v1 =	vadd.s32 $0xFFFFFF80, v0;
	v0 =	vmul.f32 v46, v46  }
0x277: {  	[tilespmem:v26+s14+$0x0] =	vst.idx.msk $0xffff, v1;
	v1 =	vmul.f32 v54, v35;
	v2 =	vadd.f32 v2, v36  }
0x278: {  	v27 =	vsel vm4, v7, v8;
	v46 =	vmul.f32 v46, v21;
	v0 =	vadd.f32 v0, v22  }
0x279: {  	v7 =	vsel vm4, v7, v25;
	v26 =	vadd.s32 $0xFFFFFF80, v41;
	v1 =	vsub.f32 v2, v1  }
0x27a: {  	v8 =	vsel vm4, v50, v8;
	v0 =	vsub.f32 v0, v46;
	[tilespmem:v28+s14+$0x0] =	vst.idx.msk $0xffff, v26  }
0x27b: {  	v2 =	vld.idx.msk [tilespmem:v4+s13+$0x0], $0xffff;
	v4 =	vmul.f32 v3, v3;
	v17 =	vsel vm5, v1, v17;
	v3 =	vmul.f32 v3, v23  }
0x27c: {  	v1 =	vsel vm5, v18, v1;
	v10 =	vsel vm13, v0, v10;
	v0 =	vsel vm13, v11, v0  }
0x27d: {  	v18 =	vld.idx.msk [tilespmem:v27+s13+$0x0], $0xffff;
	v27 =	vor.u32 $0x4, v37;
	vm15 =	vle.f32 v17, v1;
	vm12 =	vle.f32 v10, v0  }
0x27e: {  	v41 =	vmovc v20;
	v4 =	vadd.f32 v4, v20;
	v46 =	vsel vm15, v16, v15;
	v20 =	vor.u32 $0x6, v34  }
0x27f: {  	v26 =	vsel vm12, v14, v6;
	v54 =	vadd.s32 $0xFFFFFFFF, v46;
	v55 =	vadd.s32 $0x1, v46  }
0x280: {  	v61 =	vadd.s32 $0x1, v26;
	v46 =	vadd.s32 $0xFFFFFF80, v46;
	v62 =	vadd.s32 $0xFFFFFF80, v26  }
0x281: {  	v3 =	vsub.f32 v4, v3;
	v4 =	vsel vm7, v52, v56;
	v59 =	vsel vm15, v54, v55  }
0x282: {  	v16 =	vsel vm15, v54, v16;
	v63 =	vmul.f32 v2, v2;
	v2 =	vmul.f32 v2, v43  }
0x283: {  	v15 =	vsel vm15, v15, v55;
	v52 =	vmul.f32 v18, v18;
	v18 =	vmul.f32 v18, v38  }
0x284: {  	v11 =	vsel vm7, v3, v60;
	v3 =	vsel vm7, v13, v3;
	v9 =	vadd.f32 v63, v42  }
0x285: {  	v60 =	vadd.s32 $0xFFFFFFFF, v26;
	v26 =	vor.u32 $0x2, v24;
	vm7 =	vle.f32 v11, v3  }
0x286: {  	v13 =	vadd.f32 v52, v33;
	v63 =	vsel vm7, v4, v5;
	v2 =	vsub.f32 v9, v2  }
0x287: {  	[tilespmem:v20+s14+$0x0] =	vst.idx.msk $0xffff, v46;
	v9 =	vsel vm12, v60, v61;
	v53 =	vadd.s32 $0xFFFFFFFF, v63;
	v56 =	vadd.s32 $0x1, v63  }
0x288: {  	v6 =	vsel vm12, v6, v61;
	v13 =	vsub.f32 v13, v18;
	v18 =	vld.idx.msk [tilespmem:v59+s13+$0x0], $0xffff;
	v59 =	vsel vm7, v53, v56  }
0x289: {  	v55 =	vor.u32 $0x5, v37;
	[tilespmem:v27+s14+$0x0] =	vst.idx.msk $0xffff, v62;
	v62 =	vor.u32 $0x1, v28;
	v14 =	vsel vm12, v60, v14  }
0x28a: {  	v52 =	vor.u32 $0x7, v34;
	v63 =	vadd.s32 $0xFFFFFF80, v63;
	v4 =	vsel vm7, v53, v4  }
0x28b: {  	v27 =	vmovc v24;
	v5 =	vsel vm7, v5, v56;
	v47 =	vsel vm14, v2, v47;
	v2 =	vsel vm14, v12, v2  }
0x28c: {  	[tilespmem:v26+s14+$0x0] =	vst.idx.msk $0xffff, v63;
	v46 =	vsel vm4, v13, v51;
	vm13 =	vle.f32 v47, v2;
	v9 =	vld.idx.msk [tilespmem:v9+s13+$0x0], $0xffff  }
0x28d: {  	v12 =	vsel vm4, v19, v13;
	v24 =	vsel vm13, v29, v48;
	v25 =	vmul.f32 v18, v18;
	v20 =	vld.idx.msk [tilespmem:v59+s13+$0x0], $0xffff  }
0x28e: {  	vm4 =	vle.f32 v46, v12;
	v49 =	vadd.s32 $0xFFFFFFFF, v24;
	v51 =	vadd.s32 $0x1, v24  }
0x28f: {  	v50 =	vadd.s32 $0xFFFFFF80, v24;
	v18 =	vmul.f32 v18, v35;
	v24 =	vadd.f32 v25, v36  }
0x290: {  	v26 =	vsel vm13, v49, v51;
	v59 =	vor.u32 $0x9, v31;
	v29 =	vsel vm13, v49, v29  }
0x291: {  	v25 =	vsel vm4, v7, v8;
	v18 =	vsub.f32 v24, v18;
	v63 =	vmul.f32 v9, v9  }
0x292: {  	[tilespmem:v62+s14+$0x0] =	vst.idx.msk $0xffff, v50;
	v13 =	vadd.s32 $0xFFFFFFFF, v25;
	v50 =	vadd.s32 $0x1, v25;
	v57 =	vmul.f32 v20, v20  }
0x293: {  	v9 =	vmul.f32 v9, v21;
	v17 =	vsel vm15, v18, v17;
	v19 =	vadd.f32 v63, v22  }
0x294: {  	v20 =	vmul.f32 v20, v23;
	v1 =	vsel vm15, v1, v18;
	v58 =	vadd.f32 v57, v41  }
0x295: {  	vm14 =	vle.f32 v17, v1;
	v9 =	vsub.f32 v19, v9;
	v19 =	vld.idx.msk [tilespmem:v26+s13+$0x0], $0xffff;
	v26 =	vadd.s32 $0xFFFFFF80, v25  }
0x296: {  	v60 =	vor.u32 $0x3, v27;
	[tilespmem:v59+s14+$0x0] =	vst.idx.msk $0xffff, v26;
	v59 =	vsel vm4, v13, v50;
	v61 =	vsub.f32 v58, v20  }
0x297: {  	v26 =	vsel vm14, v16, v15;
	v10 =	vsel vm12, v9, v10;
	v0 =	vsel vm12, v0, v9  }
0x298: {  	v24 =	vmovc v41;
	v53 =	vadd.s32 $0xFFFFFFFF, v26;
	v54 =	vadd.s32 $0x1, v26;
	v41 =	vadd.s32 $0xFFFFFF80, v26  }
0x299: {  	v11 =	vsel vm7, v61, v11;
	v25 =	vsel vm7, v3, v61;
	v49 =	vsel vm14, v53, v54  }
0x29a: {  	vm15 =	vle.f32 v10, v0;
	[tilespmem:v52+s14+$0x0] =	vst.idx.msk $0xffff, v41;
	v41 =	vor.u32 $0x2, v28;
	v63 =	vmul.f32 v19, v19  }
0x29b: {  	v20 =	vsel vm15, v14, v6;
	vm12 =	vle.f32 v11, v25;
	v19 =	vmul.f32 v19, v43;
	v9 =	vld.idx.msk [tilespmem:v59+s13+$0x0], $0xffff  }
0x29c: {  	v56 =	vadd.s32 $0xFFFFFFFF, v20;
	v57 =	vadd.s32 $0x1, v20;
	v18 =	vadd.f32 v63, v42  }
0x29d: {  	v30 =	vmovc v34;
	v20 =	vadd.s32 $0xFFFFFF80, v20;
	v58 =	vsel vm12, v4, v5;
	v59 =	vsel vm15, v56, v57  }
0x29e: {  	[tilespmem:v55+s14+$0x0] =	vst.idx.msk $0xffff, v20;
	v61 =	vadd.s32 $0xFFFFFF80, v58;
	v55 =	vadd.s32 $0xFFFFFFFF, v58;
	v49 =	vld.idx.msk [tilespmem:v49+s13+$0x0], $0xffff;
	v18 =	vsub.f32 v18, v19  }
0x29f: {  	v6 =	vsel vm15, v6, v57;
	v57 =	vor.u32 $0x8, v30;
	v19 =	vsel vm13, v48, v51  }
0x2a0: {  	v26 =	vmul.f32 v9, v9;
	v47 =	vsel vm13, v18, v47;
	v63 =	vsel vm13, v2, v18  }
0x2a1: {  	v51 =	vadd.s32 $0x1, v58;
	v9 =	vmul.f32 v9, v38;
	vm13 =	vle.f32 v47, v63  }
0x2a2: {  	[tilespmem:$0x1FF50] =	vst v38;
	v38 =	vsel vm12, v55, v51;
	v2 =	vld [tilespmem:$0x1FE00];
	v18 =	vadd.f32 v26, v33;
	v26 =	vsel vm13, v29, v19  }
0x2a3: {  	v62 =	vmovc v22;
	v20 =	vld.idx.msk [tilespmem:v59+s13+$0x0], $0xffff;
	v22 =	vmul.f32 v49, v49;
	v48 =	vadd.s32 $0xFFFFFFFF, v26;
	v52 =	vadd.s32 $0x1, v26  }
0x2a4: {  	[tilespmem:$0x1FE90] =	vst v33;
	v4 =	vsel vm12, v55, v4;
	v33 =	vadd.s32 $0xFFFFFF80, v26;
	v26 =	vsel vm13, v48, v52  }
0x2a5: {  	[tilespmem:v60+s14+$0x0] =	vst.idx.msk $0xffff, v61;
	v58 =	vor.u32 $0xA, v31;
	v5 =	vsel vm12, v5, v51;
	v59 =	vsel vm3, v40, v44  }
0x2a6: {  	v44 =	vsel vm4, v13, v7;
	v40 =	vsel vm4, v8, v50;
	v13 =	vsel vm14, v15, v54  }
0x2a7: {  	v7 =	vadd.f32 v22, v36;
	v61 =	vsel vm3, v45, v2;
	v2 =	vld [tilespmem:$0x1FE10];
	v22 =	vmovc v36;
	v36 =	vmul.f32 v49, v35  }
0x2a8: {  	[tilespmem:v41+s14+$0x0] =	vst.idx.msk $0xffff, v33;
	v9 =	vsub.f32 v18, v9;
	v8 =	vmul.f32 v20, v20;
	v38 =	vld.idx.msk [tilespmem:v38+s13+$0x0], $0xffff  }
0x2a9: {  	v29 =	vsel vm13, v48, v29;
	v19 =	vsel vm13, v19, v52;
	v7 =	vsub.f32 v7, v36;
	v50 =	vld.idx.msk [tilespmem:v26+s13+$0x0], $0xffff  }
0x2aa: {  	v33 =	vsel vm4, v12, v9;
	v49 =	vmul.f32 v20, v21;
	v8 =	vadd.f32 v8, v62  }
0x2ab: {  	v41 =	vmovc v21;
	v21 =	vsel vm15, v56, v14;
	v17 =	vsel vm14, v7, v17;
	v7 =	vsel vm14, v1, v7;
	v1 =	vld [tilespmem:$0x1FE20]  }
0x2ac: {  	v56 =	vor.u32 $0xC, v39;
	v8 =	vsub.f32 v8, v49;
	v45 =	vsel vm3, v2, v45  }
0x2ad: {  	v2 =	vsel vm4, v9, v46;
	v9 =	vsel vm14, v53, v16;
	v12 =	vmul.f32 v38, v23  }
0x2ae: {  	vm14 =	vle.f32 v61, v45;
	v10 =	vsel vm15, v8, v10;
	v26 =	vmul.f32 v50, v50  }
0x2af: {  	v8 =	vsel vm15, v0, v8;
	v0 =	vmul.f32 v38, v38;
	vm15 =	vle.f32 v17, v7  }
0x2b0: {  	v16 =	vmul.f32 v50, v43;
	v53 =	vsel vm14, v1, v59;
	v20 =	vadd.f32 v26, v42  }
0x2b1: {  	vm4 =	vle.f32 v2, v33;
	v46 =	vadd.s32 $0xFFFFFFFF, v53;
	v14 =	vadd.s32 $0x1, v53  }
0x2b2: {  	v38 =	vsel vm15, v9, v13;
	v36 =	vsel vm14, v46, v14;
	v16 =	vsub.f32 v20, v16  }
0x2b3: {  	v0 =	vadd.f32 v0, v24;
	v39 =	vadd.s32 $0xFFFFFF80, v38;
	v20 =	vadd.s32 $0x1, v38  }
0x2b4: {  	[tilespmem:$0x1FEC0] =	vst v31;
	v50 =	vsel vm13, v16, v47;
	v3 =	vsel vm13, v63, v16;
	v16 =	vadd.s32 $0xFFFFFFFF, v38  }
0x2b5: {  	[tilespmem:$0x1FEA0] =	vst v2;
	v2 =	vmovc v34;
	v0 =	vsub.f32 v0, v12;
	v54 =	vadd.s32 $0xFFFFFF80, v53;
	v60 =	vsel vm15, v16, v20  }
0x2b6: {  	v34 =	vmovc v31;
	v31 =	vor.u32 $0x6, v37;
	[tilespmem:v56+s14+$0x0] =	vst.idx.msk $0xffff, v54;
	v63 =	vor.u32 $0x3, v28;
	vm9 =	vle.f32 v50, v3  }
0x2b7: {  	v11 =	vsel vm12, v0, v11;
	v26 =	vsel vm12, v25, v0;
	v0 =	vsel vm9, v29, v19;
	v12 =	vld.idx.msk [tilespmem:v36+s13+$0x0], $0xffff  }
0x2b8: {  	v48 =	vor.u32 $0x4, v27;
	[tilespmem:v57+s14+$0x0] =	vst.idx.msk $0xffff, v39;
	v39 =	vld [tilespmem:$0x1FE30];
	v18 =	vadd.s32 $0xFFFFFFFF, v0;
	v52 =	vadd.s32 $0x1, v0  }
0x2b9: {  	v32 =	vmovc v23;
	v23 =	vsel vm4, v44, v40;
	vm12 =	vle.f32 v10, v8;
	v36 =	vld [tilespmem:$0x1FF30];
	v54 =	vsel vm9, v18, v52  }
0x2ba: {  	v15 =	vadd.s32 $0xFFFFFFFF, v23;
	v30 =	vsel vm12, v21, v6;
	v0 =	vadd.s32 $0xFFFFFF80, v0;
	v47 =	vld.idx.msk [tilespmem:v60+s13+$0x0], $0xffff  }
0x2bb: {  	v25 =	vadd.s32 $0xFFFFFF80, v23;
	v51 =	vadd.s32 $0xFFFFFFFF, v30;
	[tilespmem:v63+s14+$0x0] =	vst.idx.msk $0xffff, v0;
	v63 =	vadd.s32 $0xFFFFFF80, v30;
	v60 =	vld [tilespmem:$0x1FE40]  }
0x2bc: {  	v56 =	vadd.s32 $0x1, v30;
	vm13 =	vle.f32 v11, v26;
	[tilespmem:v31+s14+$0x0] =	vst.idx.msk $0xffff, v63;
	v31 =	vld [tilespmem:$0x1FF40];
	v0 =	vmul.f32 v12, v12  }
0x2bd: {  	v53 =	vadd.s32 $0x1, v23;
	[tilespmem:v58+s14+$0x0] =	vst.idx.msk $0xffff, v25;
	v57 =	vsel vm12, v51, v56;
	v23 =	vsel vm13, v4, v5  }
0x2be: {  	v58 =	vsel vm4, v15, v53;
	v49 =	vld.idx.msk [tilespmem:v54+s13+$0x0], $0xffff;
	v25 =	vadd.f32 v0, v36;
	v0 =	vadd.s32 $0xFFFFFF80, v23  }
0x2bf: {  	v6 =	vsel vm12, v6, v56;
	v55 =	vadd.s32 $0x1, v23;
	[tilespmem:v48+s14+$0x0] =	vst.idx.msk $0xffff, v0;
	v0 =	vld [tilespmem:$0x1FE50]  }
0x2c0: {  	v9 =	vsel vm15, v16, v9;
	v5 =	vsel vm13, v5, v55;
	vm3 =	vle.f32 v39, v60;
	v60 =	vld [tilespmem:$0x1FE60]  }
0x2c1: {  	v16 =	vsel vm9, v18, v29;
	v54 =	vadd.s32 $0xFFFFFFFF, v23;
	v12 =	vmul.f32 v12, v31  }
0x2c2: {  	v18 =	vor.u32 $0x4, v28;
	v57 =	vld.idx.msk [tilespmem:v57+s13+$0x0], $0xffff;
	v4 =	vsel vm13, v54, v4;
	v48 =	vmul.f32 v47, v47  }
0x2c3: {  	v58 =	vld.idx.msk [tilespmem:v58+s13+$0x0], $0xffff;
	v47 =	vmul.f32 v47, v35;
	v39 =	vsel vm14, v59, v14;
	v12 =	vsub.f32 v25, v12  }
0x2c4: {  	v23 =	vadd.f32 v48, v22;
	v25 =	vsel vm14, v46, v1;
	v59 =	vmul.f32 v49, v49  }
0x2c5: {  	v63 =	vld [tilespmem:$0x1FE80];
	v30 =	vsel vm14, v12, v61;
	v0 =	vsel vm1, v60, v0;
	v60 =	vsel vm13, v54, v55  }
0x2c6: {  	v61 =	vsub.f32 v23, v47;
	v23 =	vmul.f32 v49, v43;
	v14 =	vadd.f32 v59, v42;
	[tilespmem:$0x1FED0] =	vst v0;
	v0 =	vld [tilespmem:$0x1FE70]  }
0x2c7: {  	v48 =	vsel vm15, v13, v20;
	v46 =	vmul.f32 v57, v41;
	v38 =	vsel vm14, v45, v12  }
0x2c8: {  	v12 =	vmul.f32 v58, v58;
	v59 =	vsel vm9, v19, v52;
	v1 =	vsub.f32 v14, v23  }
0x2c9: {  	vm5 =	vle.f32 v30, v38;
	v47 =	vsel vm15, v61, v17;
	v49 =	vsel vm15, v7, v61  }
0x2ca: {  	v7 =	vsel vm12, v51, v21;
	v17 =	vsel vm9, v1, v50;
	v1 =	vsel vm9, v3, v1;
	v13 =	vld.idx.msk [tilespmem:v60+s13+$0x0], $0xffff  }
0x2cb: {  	v21 =	vor.u32 $0x5, v27;
	vm14 =	vle.f32 v17, v1;
	v0 =	vsel vm1, v0, v63  }
0x2cc: {  	v63 =	vmovc v35;
	v35 =	vmul.f32 v57, v57;
	vm1 =	vle.f32 v47, v49;
	v29 =	vsel vm14, v16, v59  }
0x2cd: {  	v50 =	vadd.s32 $0xFFFFFFFF, v29;
	v51 =	vadd.s32 $0x1, v29;
	v29 =	vadd.s32 $0xFFFFFF80, v29  }
0x2ce: {  	v56 =	vsel vm1, v9, v48;
	v45 =	vadd.f32 v35, v62;
	v20 =	vsel vm14, v50, v51  }
0x2cf: {  	[tilespmem:v18+s14+$0x0] =	vst.idx.msk $0xffff, v29;
	v18 =	vadd.s32 $0xFFFFFFFF, v56;
	v29 =	vadd.s32 $0x1, v56;
	v57 =	vmul.f32 v13, v13  }
0x2d0: {  	v60 =	vmovc v41;
	v41 =	vadd.s32 $0xFFFFFF80, v56;
	v16 =	vsel vm14, v50, v16;
	v14 =	vsub.f32 v45, v46  }
0x2d1: {  	[tilespmem:$0x1FEE0] =	vst v0;
	v0 =	vld [tilespmem:$0x1FE90];
	v13 =	vmul.f32 v13, v32;
	v61 =	vadd.f32 v57, v24;
	v57 =	vor.u32 $0x9, v2  }
0x2d2: {  	v23 =	vmovc v24;
	v52 =	vsel vm1, v18, v29;
	v29 =	vsel vm1, v48, v29;
	v10 =	vsel vm12, v14, v10  }
0x2d3: {  	v24 =	vmovc v32;
	v8 =	vsel vm12, v8, v14;
	v32 =	vor.u32 $0x7, v37;
	v20 =	vld.idx.msk [tilespmem:v20+s13+$0x0], $0xffff;
	v13 =	vsub.f32 v61, v13  }
0x2d4: {  	v45 =	vsel vm4, v40, v53;
	v46 =	vsel vm1, v18, v9;
	vm6 =	vle.f32 v10, v8;
	v61 =	vld [tilespmem:$0x1FF50]  }
0x2d5: {  	v56 =	vmovc v27;
	v27 =	vsel vm6, v7, v6;
	v11 =	vsel vm13, v13, v11;
	v3 =	vsel vm13, v26, v13  }
0x2d6: {  	v12 =	vadd.f32 v12, v0;
	v14 =	vadd.s32 $0xFFFFFFFF, v27;
	[tilespmem:v57+s14+$0x0] =	vst.idx.msk $0xffff, v41;
	vm7 =	vle.f32 v11, v3  }
0x2d7: {  	v35 =	vmovc v2;
	v7 =	vsel vm6, v14, v7;
	v41 =	vadd.s32 $0xFFFFFF80, v27;
	v13 =	vld.idx.msk [tilespmem:v52+s13+$0x0], $0xffff;
	v55 =	vsel vm7, v4, v5  }
0x2d8: {  	v2 =	vld [tilespmem:$0x1FEA0];
	v52 =	vadd.s32 $0x1, v27;
	[tilespmem:v32+s14+$0x0] =	vst.idx.msk $0xffff, v41;
	v41 =	vsel vm4, v15, v44;
	v57 =	vmul.f32 v20, v20  }
0x2d9: {  	v27 =	vmovc v43;
	v20 =	vmul.f32 v20, v43;
	v43 =	vsel vm5, v25, v39;
	v19 =	vmul.f32 v58, v61  }
0x2da: {  	v54 =	vsel vm6, v14, v52;
	v32 =	vadd.s32 $0xFFFFFF80, v55;
	v15 =	vadd.s32 $0xFFFFFFFF, v55  }
0x2db: {  	v6 =	vsel vm6, v6, v52;
	v58 =	vadd.f32 v57, v42;
	v12 =	vsub.f32 v12, v19  }
0x2dc: {  	v52 =	vadd.s32 $0xFFFFFF80, v43;
	[tilespmem:v21+s14+$0x0] =	vst.idx.msk $0xffff, v32;
	v4 =	vsel vm7, v15, v4;
	v19 =	vadd.s32 $0x1, v55  }
0x2dd: {  	v55 =	vsel vm7, v15, v19;
	v20 =	vsub.f32 v58, v20;
	v44 =	vsel vm4, v12, v2  }
0x2de: {  	v32 =	vmul.f32 v13, v13;
	v40 =	vsel vm4, v33, v12;
	v2 =	vsel vm14, v59, v51  }
0x2df: {  	v59 =	vor.u32 $0x5, v28;
	v17 =	vsel vm14, v20, v17;
	v1 =	vsel vm14, v1, v20  }
0x2e0: {  	v13 =	vmul.f32 v13, v63;
	v33 =	vld.idx.msk [tilespmem:v54+s13+$0x0], $0xffff;
	v57 =	vadd.f32 v32, v22;
	vm15 =	vle.f32 v17, v1  }
0x2e1: {  	v5 =	vsel vm7, v5, v19;
	v20 =	vadd.s32 $0x1, v43;
	v58 =	vsel vm15, v16, v2  }
0x2e2: {  	vm4 =	vle.f32 v44, v40;
	v18 =	vld.idx.msk [tilespmem:v55+s13+$0x0], $0xffff;
	v9 =	vsub.f32 v57, v13;
	v50 =	vadd.s32 $0xFFFFFFFF, v58  }
0x2e3: {  	v51 =	vadd.s32 $0x1, v58;
	v13 =	vadd.s32 $0xFFFFFF80, v58;
	v58 =	vsel vm4, v41, v45  }
0x2e4: {  	v26 =	vmovc v28;
	v28 =	vsel vm15, v50, v51;
	[tilespmem:v59+s14+$0x0] =	vst.idx.msk $0xffff, v13;
	v13 =	vadd.s32 $0xFFFFFFFF, v43;
	v59 =	vor.u32 $0xB, v34  }
0x2e5: {  	[tilespmem:$0x1FEB0] =	vst v22;
	v32 =	vld [tilespmem:$0x1FFA0];
	v54 =	vadd.s32 $0xFFFFFFFF, v58;
	v43 =	vor.u32 $0x6, v56;
	v22 =	vmul.f32 v33, v33  }
0x2e6: {  	v16 =	vsel vm15, v50, v16;
	v2 =	vsel vm15, v2, v51;
	v12 =	vmul.f32 v33, v60  }
0x2e7: {  	v21 =	vmovc v42;
	v47 =	vsel vm1, v9, v47;
	v42 =	vadd.f32 v22, v62;
	v33 =	vmul.f32 v18, v18  }
0x2e8: {  	v9 =	vsel vm1, v49, v9;
	v49 =	vor.u32 $0xA, v35;
	v41 =	vsel vm4, v54, v41  }
0x2e9: {  	v18 =	vmul.f32 v18, v24;
	v12 =	vsub.f32 v42, v12;
	v14 =	vld.idx.msk [tilespmem:v28+s13+$0x0], $0xffff;
	v57 =	vadd.f32 v33, v23  }
0x2ea: {  	v53 =	vor.u32 $0xD, v32;
	v22 =	vmovc v60;
	v42 =	vsel vm5, v13, v20;
	v60 =	vadd.s32 $0xFFFFFF80, v58  }
0x2eb: {  	v10 =	vsel vm6, v12, v10;
	v8 =	vsel vm6, v8, v12;
	v18 =	vsub.f32 v57, v18  }
0x2ec: {  	v28 =	vor.u32 $0x8, v37;
	v12 =	vadd.s32 $0x1, v58;
	vm12 =	vle.f32 v10, v8  }
0x2ed: {  	v57 =	vsel vm12, v7, v6;
	v11 =	vsel vm7, v18, v11;
	v3 =	vsel vm7, v3, v18  }
0x2ee: {  	[tilespmem:v59+s14+$0x0] =	vst.idx.msk $0xffff, v60;
	v58 =	vmul.f32 v14, v14;
	v59 =	vadd.s32 $0xFFFFFF80, v57;
	v19 =	vadd.s32 $0xFFFFFFFF, v57  }
0x2ef: {  	[tilespmem:v53+s14+$0x0] =	vst.idx.msk $0xffff, v52;
	v52 =	vadd.s32 $0x1, v57;
	v14 =	vmul.f32 v14, v27;
	vm13 =	vle.f32 v11, v3  }
0x2f0: {  	v42 =	vld.idx.msk [tilespmem:v42+s13+$0x0], $0xffff;
	v34 =	vsel vm12, v19, v52;
	v53 =	vadd.f32 v58, v21;
	v60 =	vsel vm13, v4, v5  }
0x2f1: {  	v58 =	vsel vm4, v54, v12;
	v18 =	vadd.s32 $0xFFFFFFFF, v60;
	v55 =	vadd.s32 $0x1, v60  }
0x2f2: {  	[tilespmem:v28+s14+$0x0] =	vst.idx.msk $0xffff, v59;
	v57 =	vadd.s32 $0xFFFFFF80, v60;
	v14 =	vsub.f32 v53, v14;
	v59 =	vsel vm13, v18, v55  }
0x2f3: {  	v7 =	vsel vm12, v19, v7;
	v6 =	vsel vm12, v6, v52;
	[tilespmem:v43+s14+$0x0] =	vst.idx.msk $0xffff, v57;
	v53 =	vor.u32 $0x6, v26  }
0x2f4: {  	v43 =	vsel vm5, v39, v20;
	v17 =	vsel vm15, v14, v17;
	v1 =	vsel vm15, v1, v14  }
0x2f5: {  	v4 =	vsel vm13, v18, v4;
	v60 =	vmul.f32 v42, v42;
	v15 =	vld.idx.msk [tilespmem:v34+s13+$0x0], $0xffff;
	vm14 =	vle.f32 v17, v1  }
0x2f6: {  	vm15 =	vle.f32 v47, v9;
	v34 =	vmul.f32 v42, v31;
	v50 =	vld.idx.msk [tilespmem:v58+s13+$0x0], $0xffff;
	v51 =	vsel vm14, v16, v2  }
0x2f7: {  	v33 =	vmovc v37;
	v37 =	vmovc v56;
	v14 =	vadd.f32 v60, v36;
	v48 =	vld.idx.msk [tilespmem:v59+s13+$0x0], $0xffff;
	v56 =	vadd.s32 $0xFFFFFFFF, v51;
	v57 =	vadd.s32 $0x1, v51  }
0x2f8: {  	v5 =	vsel vm13, v5, v55;
	v36 =	vsel vm15, v46, v29;
	v60 =	vsel vm14, v56, v57  }
0x2f9: {  	v42 =	vsel vm5, v13, v25;
	v39 =	vadd.s32 $0xFFFFFF80, v36;
	v13 =	vsub.f32 v14, v34  }
0x2fa: {  	[tilespmem:v49+s14+$0x0] =	vst.idx.msk $0xffff, v39;
	v58 =	vadd.s32 $0xFFFFFF80, v51;
	v14 =	vadd.s32 $0xFFFFFFFF, v36;
	v49 =	vadd.s32 $0x1, v36  }
0x2fb: {  	[tilespmem:v53+s14+$0x0] =	vst.idx.msk $0xffff, v58;
	v58 =	vor.u32 $0x7, v37;
	v16 =	vsel vm14, v56, v16;
	v25 =	vmul.f32 v15, v15  }
0x2fc: {  	v2 =	vsel vm14, v2, v57;
	v31 =	vmul.f32 v50, v50;
	v34 =	vmul.f32 v48, v48  }
0x2fd: {  	v15 =	vmul.f32 v15, v22;
	v50 =	vmul.f32 v50, v61;
	v61 =	vor.u32 $0x9, v33;
	v53 =	vld.idx.msk [tilespmem:v60+s13+$0x0], $0xffff  }
0x2fe: {  	v51 =	vadd.f32 v31, v0;
	v48 =	vmul.f32 v48, v24;
	v34 =	vadd.f32 v34, v23  }
0x2ff: {  	v36 =	vmovc v0;
	v20 =	vadd.f32 v25, v62;
	v25 =	vsel vm15, v14, v49;
	v0 =	vsel vm5, v13, v30  }
0x300: {  	v31 =	vsel vm5, v38, v13;
	v13 =	vsub.f32 v51, v50;
	v51 =	vsub.f32 v34, v48  }
0x301: {  	v38 =	vsel vm4, v45, v12;
	v15 =	vsub.f32 v20, v15;
	vm1 =	vle.f32 v0, v31  }
0x302: {  	v11 =	vsel vm13, v51, v11;
	v3 =	vsel vm13, v3, v51;
	v52 =	vmul.f32 v53, v53  }
0x303: {  	v10 =	vsel vm12, v15, v10;
	v8 =	vsel vm12, v8, v15;
	vm13 =	vle.f32 v11, v3  }
0x304: {  	v55 =	vmul.f32 v53, v27;
	v18 =	vsel vm13, v4, v5;
	v15 =	vadd.f32 v52, v21  }
0x305: {  	vm12 =	vle.f32 v10, v8;
	v48 =	vadd.s32 $0xFFFFFFFF, v18;
	v50 =	vadd.s32 $0x1, v18  }
0x306: {  	v19 =	vld.idx.msk [tilespmem:v25+s13+$0x0], $0xffff;
	v60 =	vsel vm12, v7, v6;
	v59 =	vsel vm13, v48, v50;
	v15 =	vsub.f32 v15, v55  }
0x307: {  	v39 =	vsel vm4, v13, v44;
	v40 =	vsel vm4, v40, v13;
	v52 =	vadd.s32 $0x1, v60  }
0x308: {  	v34 =	vld [tilespmem:$0x1FEB0];
	v17 =	vsel vm14, v15, v17;
	v1 =	vsel vm14, v1, v15;
	v15 =	vadd.s32 $0xFFFFFFFF, v60  }
0x309: {  	v28 =	vmovc v27;
	v18 =	vadd.s32 $0xFFFFFF80, v18;
	vm14 =	vle.f32 v17, v1;
	v53 =	vsel vm12, v15, v52  }
0x30a: {  	v30 =	vor.u32 $0x7, v26;
	v44 =	vsel vm15, v14, v46;
	[tilespmem:v58+s14+$0x0] =	vst.idx.msk $0xffff, v18;
	v27 =	vsel vm14, v16, v2  }
0x30b: {  	v20 =	vmul.f32 v19, v19;
	v56 =	vld.idx.msk [tilespmem:v59+s13+$0x0], $0xffff;
	v58 =	vadd.s32 $0xFFFFFFFF, v27;
	v59 =	vadd.s32 $0x1, v27  }
0x30c: {  	v51 =	vsel vm1, v42, v43;
	v60 =	vadd.s32 $0xFFFFFF80, v60;
	v12 =	vsel vm14, v58, v59  }
0x30d: {  	v19 =	vmul.f32 v19, v63;
	v20 =	vadd.f32 v20, v34;
	[tilespmem:v61+s14+$0x0] =	vst.idx.msk $0xffff, v60  }
0x30e: {  	vm4 =	vle.f32 v39, v40;
	v13 =	vadd.s32 $0xFFFFFFFF, v51;
	v18 =	vadd.s32 $0x1, v51;
	v54 =	vld.idx.msk [tilespmem:v53+s13+$0x0], $0xffff  }
0x30f: {  	v4 =	vsel vm13, v48, v4;
	v61 =	vsub.f32 v20, v19;
	v46 =	vadd.s32 $0xFFFFFF80, v27  }
0x310: {  	v5 =	vsel vm13, v5, v50;
	v20 =	vadd.s32 $0xFFFFFF80, v51;
	[tilespmem:v30+s14+$0x0] =	vst.idx.msk $0xffff, v46;
	v55 =	vmul.f32 v56, v56  }
0x311: {  	v47 =	vsel vm15, v61, v47;
	v9 =	vsel vm15, v9, v61;
	v46 =	vsel vm15, v29, v49;
	v12 =	vld.idx.msk [tilespmem:v12+s13+$0x0], $0xffff  }
0x312: {  	v29 =	vor.u32 $0xE, v32;
	v57 =	vmul.f32 v56, v24;
	v14 =	vadd.f32 v55, v23  }
0x313: {  	v49 =	vsel vm4, v41, v38;
	vm6 =	vle.f32 v47, v9;
	v60 =	vmul.f32 v54, v54  }
0x314: {  	[tilespmem:$0x1FF60] =	vst v0;
	v0 =	vld [tilespmem:$0x1FEC0];
	v30 =	vor.u32 $0x8, v37;
	v48 =	vadd.s32 $0xFFFFFFFF, v49;
	v14 =	vsub.f32 v14, v57  }
0x315: {  	v19 =	vmul.f32 v54, v22;
	v54 =	vsel vm1, v13, v18;
	v45 =	vadd.f32 v60, v62  }
0x316: {  	v11 =	vsel vm13, v14, v11;
	v3 =	vsel vm13, v3, v14;
	v61 =	vmul.f32 v12, v12  }
0x317: {  	v12 =	vmul.f32 v12, v28;
	vm8 =	vle.f32 v11, v3;
	v19 =	vsub.f32 v45, v19  }
0x318: {  	v27 =	vmovc v21;
	v45 =	vadd.s32 $0x1, v49;
	v14 =	vadd.f32 v61, v21;
	v21 =	vsel vm8, v4, v5  }
0x319: {  	v25 =	vmovc v37;
	v37 =	vld [tilespmem:$0x1FEE0];
	v55 =	vor.u32 $0xC, v0;
	v56 =	vsel vm4, v48, v45;
	v51 =	vadd.s32 $0x1, v21  }
0x31a: {  	v32 =	vadd.s32 $0xFFFFFF80, v21;
	v12 =	vsub.f32 v14, v12;
	v14 =	vadd.s32 $0xFFFFFFFF, v21;
	v21 =	vld [tilespmem:$0x1FED0]  }
0x31b: {  	v50 =	vor.u32 $0x8, v26;
	v16 =	vsel vm14, v58, v16;
	v2 =	vsel vm14, v2, v59;
	[tilespmem:v29+s14+$0x0] =	vst.idx.msk $0xffff, v20  }
0x31c: {  	v10 =	vsel vm12, v19, v10;
	v8 =	vsel vm12, v8, v19;
	v19 =	vld.idx.msk [tilespmem:v54+s13+$0x0], $0xffff;
	v54 =	vadd.s32 $0xFFFFFF80, v49  }
0x31d: {  	[tilespmem:$0x1FF70] =	vst v31;
	v31 =	vsel vm8, v14, v51;
	v17 =	vsel vm14, v12, v17;
	v1 =	vsel vm14, v1, v12  }
0x31e: {  	v58 =	vor.u32 $0xB, v35;
	v57 =	vsel vm6, v44, v46;
	[tilespmem:v55+s14+$0x0] =	vst.idx.msk $0xffff, v54;
	vm7 =	vle.f32 v17, v1  }
0x31f: {  	[tilespmem:v30+s14+$0x0] =	vst.idx.msk $0xffff, v32;
	v59 =	vsel vm7, v16, v2;
	v30 =	vsel vm2, v21, v37;
	v37 =	vld.idx.msk [tilespmem:v56+s13+$0x0], $0xffff  }
0x320: {  	v20 =	vadd.s32 $0xFFFFFFFF, v57;
	v61 =	vadd.s32 $0x1, v57;
	v53 =	vadd.s32 $0xFFFFFFFF, v59;
	v56 =	vld [tilespmem:$0x1FEF0]  }
0x321: {  	v60 =	vadd.s32 $0x1, v59;
	v55 =	vadd.s32 $0xFFFFFF80, v59;
	v59 =	vadd.s32 $0xFFFFFF80, v57;
	v57 =	vld [tilespmem:$0x1FF00]  }
0x322: {  	v12 =	vld.idx.msk [tilespmem:v31+s13+$0x0], $0xffff  }
0x323: {  	v6 =	vsel vm12, v6, v52;
	v29 =	vsel vm7, v53, v60;
	[tilespmem:v58+s14+$0x0] =	vst.idx.msk $0xffff, v59;
	v58 =	vld [tilespmem:$0x1FF10]  }
0x324: {  	v7 =	vsel vm12, v15, v7;
	v38 =	vsel vm4, v38, v45;
	v15 =	vsel vm6, v20, v61;
	v59 =	vld [tilespmem:$0x1FF20]  }
0x325: {  	v20 =	vsel vm6, v20, v44;
	vm15 =	vle.f32 v10, v8;
	v5 =	vsel vm8, v5, v51  }
0x326: {  	v52 =	vor.u32 $0xA, v33;
	v4 =	vsel vm8, v14, v4;
	[tilespmem:v50+s14+$0x0] =	vst.idx.msk $0xffff, v55;
	v50 =	vsel vm15, v7, v6  }
0x327: {  	v54 =	vadd.s32 $0xFFFFFFFF, v50;
	v55 =	vadd.s32 $0x1, v50;
	v21 =	vmul.f32 v12, v12  }
0x328: {  	v31 =	vmov v33;
	v33 =	vsel vm15, v54, v55;
	v32 =	vsel vm0, v57, v56;
	v49 =	vld.idx.msk [tilespmem:v29+s13+$0x0], $0xffff  }
0x329: {  	[tilespmem:$0x1FFB0] =	vst v30;
	v30 =	vsel vm0, v58, v59;
	v12 =	vmul.f32 v12, v24;
	v58 =	vld [tilespmem:$0x1FF40];
	v56 =	vadd.f32 v21, v23  }
0x32a: {  	v16 =	vsel vm7, v53, v16;
	v2 =	vsel vm7, v2, v60;
	v7 =	vsel vm15, v54, v7  }
0x32b: {  	v6 =	vsel vm15, v6, v55;
	v57 =	vadd.s32 $0xFFFFFF80, v50;
	v12 =	vsub.f32 v56, v12  }
0x32c: {  	v15 =	vld.idx.msk [tilespmem:v15+s13+$0x0], $0xffff;
	[tilespmem:v52+s14+$0x0] =	vst.idx.msk $0xffff, v57;
	v29 =	vsel vm3, v32, v30;
	v32 =	vsel vm1, v43, v18  }
0x32d: {  	v43 =	vld [tilespmem:$0x1FF30];
	v59 =	vmul.f32 v49, v49;
	v11 =	vsel vm8, v12, v11;
	v3 =	vsel vm8, v3, v12  }
0x32e: {  	v21 =	vmul.f32 v19, v19;
	v33 =	vld.idx.msk [tilespmem:v33+s13+$0x0], $0xffff;
	v19 =	vmul.f32 v19, v58;
	vm9 =	vle.f32 v11, v3  }
0x32f: {  	v58 =	vadd.f32 v59, v27;
	v59 =	vmul.f32 v49, v28;
	v14 =	vsel vm9, v4, v5  }
0x330: {  	v49 =	vor.u32 $0x9, v25;
	v18 =	vadd.s32 $0xFFFFFFFF, v14;
	v50 =	vadd.s32 $0x1, v14  }
0x331: {  	v30 =	vsel vm1, v13, v42;
	v12 =	vsub.f32 v58, v59;
	v52 =	vsel vm9, v18, v50  }
0x332: {  	v13 =	vadd.f32 v21, v43;
	v21 =	vmul.f32 v15, v15;
	v15 =	vmul.f32 v15, v63  }
0x333: {  	v51 =	vmul.f32 v33, v33;
	v17 =	vsel vm7, v12, v17;
	v1 =	vsel vm7, v1, v12  }
0x334: {  	v21 =	vadd.f32 v21, v34;
	v14 =	vadd.s32 $0xFFFFFF80, v14;
	vm10 =	vle.f32 v17, v1  }
0x335: {  	v43 =	vadd.f32 v51, v62;
	[tilespmem:v49+s14+$0x0] =	vst.idx.msk $0xffff, v14;
	v49 =	vsel vm10, v16, v2  }
0x336: {  	v53 =	vadd.s32 $0xFFFFFFFF, v49;
	v56 =	vadd.s32 $0x1, v49;
	v51 =	vld.idx.msk [tilespmem:v52+s13+$0x0], $0xffff;
	v52 =	vor.u32 $0x9, v26  }
0x337: {  	v42 =	vmul.f32 v37, v37;
	v33 =	vmul.f32 v33, v22;
	v60 =	vsel vm10, v53, v56  }
0x338: {  	v59 =	vld [tilespmem:$0x1FF50];
	v15 =	vsub.f32 v21, v15;
	v4 =	vsel vm9, v18, v4;
	v5 =	vsel vm9, v5, v50  }
0x339: {  	v33 =	vsub.f32 v43, v33;
	v14 =	vsel vm4, v48, v41;
	v41 =	vsel vm6, v46, v61  }
0x33a: {  	v43 =	vsel vm6, v15, v47;
	v9 =	vsel vm6, v9, v15;
	v61 =	vadd.s32 $0xFFFFFF80, v49  }
0x33b: {  	v21 =	vor.u32 $0xB, v31;
	v12 =	vadd.f32 v42, v36;
	vm11 =	vle.f32 v43, v9;
	[tilespmem:v52+s14+$0x0] =	vst.idx.msk $0xffff, v61  }
0x33c: {  	v10 =	vsel vm15, v33, v10;
	v8 =	vsel vm15, v8, v33;
	v49 =	vmul.f32 v51, v51;
	v15 =	vld.idx.msk [tilespmem:v60+s13+$0x0], $0xffff  }
0x33d: {  	v37 =	vmul.f32 v37, v59;
	vm12 =	vle.f32 v10, v8;
	v46 =	vsel vm11, v20, v41  }
0x33e: {  	v50 =	vadd.s32 $0x1, v46;
	v54 =	vmul.f32 v51, v24;
	v33 =	vadd.f32 v49, v23  }
0x33f: {  	v16 =	vsel vm10, v53, v16;
	v12 =	vsub.f32 v12, v37;
	v52 =	vsel vm12, v7, v6  }
0x340: {  	v47 =	vadd.s32 $0xFFFFFFFF, v52;
	v48 =	vadd.s32 $0x1, v52;
	v42 =	vsub.f32 v33, v54  }
0x341: {  	v2 =	vsel vm10, v2, v56;
	v57 =	vsel vm12, v47, v48;
	v60 =	vmul.f32 v15, v15  }
0x342: {  	v37 =	vsel vm4, v12, v39;
	v11 =	vsel vm9, v42, v11;
	v3 =	vsel vm9, v3, v42  }
0x343: {  	v15 =	vmul.f32 v15, v28;
	vm13 =	vle.f32 v11, v3;
	v39 =	vadd.f32 v60, v27  }
0x344: {  	v61 =	vor.u32 $0xA, v25;
	v55 =	vadd.s32 $0xFFFFFF80, v52;
	v18 =	vsel vm13, v4, v5  }
0x345: {  	[tilespmem:v21+s14+$0x0] =	vst.idx.msk $0xffff, v55;
	v44 =	vadd.s32 $0xFFFFFFFF, v18;
	v49 =	vadd.s32 $0x1, v18;
	v15 =	vsub.f32 v39, v15  }
0x346: {  	v41 =	vsel vm11, v41, v50;
	v33 =	vsel vm4, v40, v12;
	v40 =	vld.idx.msk [tilespmem:v57+s13+$0x0], $0xffff;
	v21 =	vsel vm13, v44, v49  }
0x347: {  	v52 =	vor.u32 $0xC, v35;
	v17 =	vsel vm10, v15, v17;
	v1 =	vsel vm10, v1, v15  }
0x348: {  	v7 =	vsel vm12, v47, v7;
	v18 =	vadd.s32 $0xFFFFFF80, v18;
	vm14 =	vle.f32 v17, v1  }
0x349: {  	v55 =	vor.u32 $0xD, v0;
	v6 =	vsel vm12, v6, v48;
	[tilespmem:v61+s14+$0x0] =	vst.idx.msk $0xffff, v18;
	v18 =	vsel vm14, v16, v2  }
0x34a: {  	v60 =	vor.u32 $0xA, v26;
	v53 =	vadd.s32 $0xFFFFFFFF, v18;
	v54 =	vadd.s32 $0x1, v18  }
0x34b: {  	v12 =	vadd.s32 $0xFFFFFFFF, v46;
	v57 =	vmul.f32 v40, v40;
	v42 =	vld.idx.msk [tilespmem:v21+s13+$0x0], $0xffff;
	v61 =	vsel vm14, v53, v54  }
0x34c: {  	vm0 =	vle.f32 v37, v33;
	v45 =	vsel vm11, v12, v50;
	v12 =	vsel vm11, v12, v20  }
0x34d: {  	v4 =	vsel vm13, v44, v4;
	v40 =	vmul.f32 v40, v22;
	v21 =	vadd.f32 v57, v62  }
0x34e: {  	v5 =	vsel vm13, v5, v49;
	v15 =	vsub.f32 v13, v19;
	v18 =	vadd.s32 $0xFFFFFF80, v18  }
0x34f: {  	v46 =	vadd.s32 $0xFFFFFF80, v46;
	v13 =	vsel vm0, v14, v38;
	[tilespmem:v60+s14+$0x0] =	vst.idx.msk $0xffff, v18;
	v40 =	vsub.f32 v21, v40  }
0x350: {  	[tilespmem:v52+s14+$0x0] =	vst.idx.msk $0xffff, v46;
	v39 =	vadd.s32 $0x1, v13;
	v57 =	vadd.s32 $0xFFFFFFFF, v13;
	v52 =	vmul.f32 v42, v42;
	v18 =	vld.idx.msk [tilespmem:v61+s13+$0x0], $0xffff  }
0x351: {  	v38 =	vsel vm0, v38, v39;
	v46 =	vsel vm0, v57, v39;
	v10 =	vsel vm12, v40, v10  }
0x352: {  	v8 =	vsel vm12, v8, v40;
	v60 =	vmul.f32 v42, v24;
	v56 =	vadd.f32 v52, v23  }
0x353: {  	v45 =	vld.idx.msk [tilespmem:v45+s13+$0x0], $0xffff;
	v13 =	vadd.s32 $0xFFFFFF80, v13;
	v16 =	vsel vm14, v53, v16;
	vm3 =	vle.f32 v10, v8  }
0x354: {  	v21 =	vor.u32 $0xC, v31;
	v61 =	vsel vm3, v7, v6;
	v19 =	vsub.f32 v56, v60  }
0x355: {  	[tilespmem:v55+s14+$0x0] =	vst.idx.msk $0xffff, v13;
	v13 =	vadd.s32 $0xFFFFFFFF, v61;
	v48 =	vadd.s32 $0x1, v61;
	v60 =	vmul.f32 v18, v18  }
0x356: {  	v42 =	vadd.s32 $0xFFFFFF80, v61;
	v11 =	vsel vm13, v19, v11;
	v3 =	vsel vm13, v3, v19  }
0x357: {  	v40 =	vld.idx.msk [tilespmem:v46+s13+$0x0], $0xffff;
	v18 =	vmul.f32 v18, v28;
	vm15 =	vle.f32 v11, v3;
	v19 =	vadd.f32 v60, v27  }
0x358: {  	v61 =	vor.u32 $0xB, v25;
	v56 =	vmul.f32 v45, v45;
	v44 =	vsel vm15, v4, v5  }
0x359: {  	v47 =	vadd.s32 $0xFFFFFFFF, v44;
	v49 =	vadd.s32 $0x1, v44;
	v18 =	vsub.f32 v19, v18  }
0x35a: {  	v51 =	vsel vm3, v13, v48;
	v45 =	vmul.f32 v45, v63;
	v55 =	vsel vm15, v47, v49  }
0x35b: {  	v56 =	vadd.f32 v56, v34;
	v17 =	vsel vm14, v18, v17;
	v1 =	vsel vm14, v1, v18  }
0x35c: {  	v2 =	vsel vm14, v2, v54;
	v52 =	vmul.f32 v40, v40;
	vm9 =	vle.f32 v17, v1  }
0x35d: {  	v60 =	vsub.f32 v56, v45;
	v44 =	vadd.s32 $0xFFFFFF80, v44;
	v20 =	vsel vm9, v16, v2  }
0x35e: {  	[tilespmem:v61+s14+$0x0] =	vst.idx.msk $0xffff, v44;
	v61 =	vor.u32 $0xB, v26;
	v44 =	vadd.s32 $0xFFFFFFFF, v20;
	v45 =	vadd.s32 $0x1, v20  }
0x35f: {  	v14 =	vsel vm0, v57, v14;
	[tilespmem:v21+s14+$0x0] =	vst.idx.msk $0xffff, v42;
	v19 =	vld.idx.msk [tilespmem:v55+s13+$0x0], $0xffff;
	v18 =	vsel vm9, v44, v45  }
0x360: {  	v7 =	vsel vm3, v13, v7;
	v40 =	vmul.f32 v40, v59;
	v46 =	vld.idx.msk [tilespmem:v51+s13+$0x0], $0xffff;
	v51 =	vadd.f32 v52, v36  }
0x361: {  	v6 =	vsel vm3, v6, v48;
	v43 =	vsel vm11, v60, v43;
	v9 =	vsel vm11, v9, v60  }
0x362: {  	v58 =	vmovc v36;
	v40 =	vsub.f32 v51, v40;
	v4 =	vsel vm15, v47, v4;
	v20 =	vadd.s32 $0xFFFFFF80, v20  }
0x363: {  	v60 =	vor.u32 $0xD, v35;
	v5 =	vsel vm15, v5, v49;
	vm10 =	vle.f32 v43, v9;
	[tilespmem:v61+s14+$0x0] =	vst.idx.msk $0xffff, v20  }
0x364: {  	v36 =	vsel vm10, v12, v41;
	v37 =	vsel vm0, v40, v37;
	v61 =	vmul.f32 v19, v19;
	v18 =	vld.idx.msk [tilespmem:v18+s13+$0x0], $0xffff  }
0x365: {  	v33 =	vsel vm0, v33, v40;
	v21 =	vmul.f32 v46, v46;
	v54 =	vadd.s32 $0xFFFFFFFF, v36  }
0x366: {  	v20 =	vadd.s32 $0x1, v36;
	v19 =	vmul.f32 v19, v24;
	v42 =	vadd.f32 v61, v23  }
0x367: {  	v46 =	vmul.f32 v46, v22;
	v50 =	vadd.f32 v21, v62;
	v21 =	vsel vm10, v54, v20  }
0x368: {  	v52 =	vadd.s32 $0xFFFFFF80, v36;
	vm14 =	vle.f32 v37, v33;
	v19 =	vsub.f32 v42, v19  }
0x369: {  	v12 =	vsel vm10, v54, v12;
	[tilespmem:v60+s14+$0x0] =	vst.idx.msk $0xffff, v52;
	v60 =	vmul.f32 v18, v18  }
0x36a: {  	v16 =	vsel vm9, v44, v16;
	v11 =	vsel vm15, v19, v11;
	v3 =	vsel vm15, v3, v19  }
0x36b: {  	v55 =	vld [tilespmem:$0x1FF60];
	v18 =	vmul.f32 v18, v28;
	vm12 =	vle.f32 v11, v3;
	v19 =	vadd.f32 v60, v27  }
0x36c: {  	v46 =	vsub.f32 v50, v46;
	v13 =	vld.idx.msk [tilespmem:v21+s13+$0x0], $0xffff;
	v21 =	vor.u32 $0xC, v25;
	v61 =	vsel vm12, v4, v5  }
0x36d: {  	v47 =	vadd.s32 $0xFFFFFFFF, v61;
	v48 =	vadd.s32 $0x1, v61;
	v18 =	vsub.f32 v19, v18  }
0x36e: {  	v56 =	vmovc v35;
	v2 =	vsel vm9, v2, v45;
	v10 =	vsel vm3, v46, v10;
	v35 =	vsel vm12, v47, v48  }
0x36f: {  	v8 =	vsel vm3, v8, v46;
	v17 =	vsel vm9, v18, v17;
	v1 =	vsel vm9, v1, v18  }
0x370: {  	v46 =	vor.u32 $0xC, v26;
	v42 =	vadd.s32 $0xFFFFFF80, v61;
	vm13 =	vle.f32 v17, v1  }
0x371: {  	v36 =	vsel vm1, v15, v55;
	v61 =	vor.u32 $0xD, v31;
	[tilespmem:v21+s14+$0x0] =	vst.idx.msk $0xffff, v42;
	v21 =	vsel vm13, v16, v2  }
0x372: {  	vm11 =	vle.f32 v10, v8;
	v50 =	vadd.s32 $0xFFFFFFFF, v21;
	v53 =	vadd.s32 $0x1, v21  }
0x373: {  	v49 =	vsel vm11, v7, v6;
	v60 =	vmul.f32 v13, v13;
	v45 =	vld.idx.msk [tilespmem:v35+s13+$0x0], $0xffff;
	v55 =	vsel vm13, v50, v53  }
0x374: {  	v20 =	vsel vm10, v41, v20;
	v51 =	vadd.s32 $0xFFFFFFFF, v49;
	v52 =	vadd.s32 $0x1, v49  }
0x375: {  	v57 =	vadd.s32 $0xFFFFFF80, v49;
	v13 =	vmul.f32 v13, v63;
	v19 =	vadd.f32 v60, v34  }
0x376: {  	v44 =	vsel vm11, v51, v52;
	v60 =	vsel vm14, v14, v38;
	[tilespmem:v61+s14+$0x0] =	vst.idx.msk $0xffff, v57;
	v61 =	vadd.s32 $0xFFFFFF80, v21  }
0x377: {  	v4 =	vsel vm12, v47, v4;
	v13 =	vsub.f32 v19, v13;
	[tilespmem:v46+s14+$0x0] =	vst.idx.msk $0xffff, v61  }
0x378: {  	v5 =	vsel vm12, v5, v48;
	v48 =	vor.u32 $0xD, v26;
	v21 =	vmul.f32 v45, v45;
	v46 =	vld.idx.msk [tilespmem:v55+s13+$0x0], $0xffff  }
0x379: {  	v40 =	vadd.s32 $0x1, v60;
	v19 =	vadd.s32 $0xFFFFFF80, v60;
	v43 =	vsel vm10, v13, v43  }
0x37a: {  	v9 =	vsel vm10, v9, v13;
	v57 =	vmul.f32 v45, v24;
	v55 =	vadd.f32 v21, v23  }
0x37b: {  	v39 =	vld.idx.msk [tilespmem:v44+s13+$0x0], $0xffff;
	v35 =	vor.u32 $0xE, v0;
	v44 =	vadd.s32 $0xFFFFFFFF, v60;
	vm15 =	vle.f32 v43, v9  }
0x37c: {  	v41 =	vsel vm15, v12, v20;
	v42 =	vsel vm14, v44, v40;
	v13 =	vsub.f32 v55, v57  }
0x37d: {  	v61 =	vor.u32 $0xD, v25;
	v2 =	vsel vm13, v2, v53;
	v60 =	vmul.f32 v46, v46  }
0x37e: {  	v18 =	vadd.s32 $0x1, v41;
	v11 =	vsel vm12, v13, v11;
	v3 =	vsel vm12, v3, v13  }
0x37f: {  	v46 =	vmul.f32 v46, v28;
	vm8 =	vle.f32 v11, v3;
	v13 =	vadd.f32 v60, v27  }
0x380: {  	v45 =	vadd.s32 $0xFFFFFFFF, v41;
	v49 =	vmul.f32 v39, v39;
	v57 =	vld [tilespmem:$0x1FF70];
	v47 =	vsel vm8, v4, v5  }
0x381: {  	[tilespmem:v35+s14+$0x0] =	vst.idx.msk $0xffff, v19;
	v54 =	vadd.s32 $0xFFFFFFFF, v47;
	v55 =	vadd.s32 $0x1, v47;
	v13 =	vsub.f32 v13, v46  }
0x382: {  	v39 =	vmul.f32 v39, v22;
	v35 =	vld.idx.msk [tilespmem:v42+s13+$0x0], $0xffff;
	v42 =	vsel vm15, v45, v18;
	v21 =	vsel vm8, v54, v55  }
0x383: {  	v60 =	vadd.f32 v49, v62;
	v17 =	vsel vm13, v13, v17;
	v1 =	vsel vm13, v1, v13  }
0x384: {  	v47 =	vadd.s32 $0xFFFFFF80, v47;
	v13 =	vsel vm13, v50, v16;
	vm9 =	vle.f32 v17, v1  }
0x385: {  	v15 =	vsel vm1, v57, v15;
	[tilespmem:v61+s14+$0x0] =	vst.idx.msk $0xffff, v47;
	v16 =	vor.u32 $0xE, v56;
	v61 =	vsel vm9, v13, v2  }
0x386: {  	v57 =	vsub.f32 v60, v39;
	v49 =	vadd.s32 $0xFFFFFFFF, v61;
	v50 =	vadd.s32 $0x1, v61  }
0x387: {  	v7 =	vsel vm11, v51, v7;
	v6 =	vsel vm11, v6, v52;
	v19 =	vld.idx.msk [tilespmem:v21+s13+$0x0], $0xffff;
	v53 =	vsel vm9, v49, v50  }
0x388: {  	v10 =	vsel vm11, v57, v10;
	v8 =	vsel vm11, v8, v57;
	v61 =	vadd.s32 $0xFFFFFF80, v61  }
0x389: {  	v60 =	vadd.s32 $0xFFFFFF80, v41;
	vm10 =	vle.f32 v10, v8;
	v21 =	vmul.f32 v35, v35;
	[tilespmem:v48+s14+$0x0] =	vst.idx.msk $0xffff, v61  }
0x38a: {  	vm1 =	vle.f32 v36, v15;
	v46 =	vor.u32 $0xE, v31;
	v48 =	vsel vm10, v7, v6;
	[tilespmem:v16+s14+$0x0] =	vst.idx.msk $0xffff, v60  }
0x38b: {  	v15 =	vadd.f32 v21, v58;
	v41 =	vadd.s32 $0xFFFFFFFF, v48;
	v21 =	vld.idx.msk [tilespmem:v42+s13+$0x0], $0xffff;
	v42 =	vadd.s32 $0x1, v48  }
0x38c: {  	v51 =	vsel vm10, v41, v42;
	v47 =	vmul.f32 v19, v19;
	v36 =	vld.idx.msk [tilespmem:v53+s13+$0x0], $0xffff;
	_ =	sdelay $0x1  }
0x38d: {  	v38 =	vsel vm14, v38, v40;
	v19 =	vmul.f32 v19, v24;
	v39 =	vadd.f32 v47, v23  }
0x38e: {  	v14 =	vsel vm14, v44, v14;
	v12 =	vsel vm15, v45, v12;
	v40 =	vadd.s32 $0xFFFFFF80, v48  }
0x38f: {  	v4 =	vsel vm8, v54, v4;
	[tilespmem:v46+s14+$0x0] =	vst.idx.msk $0xffff, v40;
	v19 =	vsub.f32 v39, v19  }
0x390: {  	v5 =	vsel vm8, v5, v55;
	v30 =	vsel vm1, v30, v32;
	v39 =	vld.idx.msk [tilespmem:v51+s13+$0x0], $0xffff;
	v53 =	vmul.f32 v36, v36  }
0x391: {  	v57 =	vor.u32 $0xE, v25;
	v11 =	vsel vm8, v19, v11;
	v3 =	vsel vm8, v3, v19  }
0x392: {  	v36 =	vmul.f32 v36, v28;
	vm11 =	vle.f32 v11, v3;
	v16 =	vadd.f32 v53, v27  }
0x393: {  	v35 =	vmul.f32 v35, v59;
	v13 =	vsel vm9, v49, v13;
	v55 =	vsel vm11, v4, v5  }
0x394: {  	v44 =	vadd.s32 $0xFFFFFFFF, v55;
	v46 =	vadd.s32 $0x1, v55;
	v16 =	vsub.f32 v16, v36  }
0x395: {  	v2 =	vsel vm9, v2, v50;
	v60 =	vmul.f32 v39, v39;
	v58 =	vsel vm11, v44, v46  }
0x396: {  	v47 =	vor.u32 $0xE, v26;
	v17 =	vsel vm9, v16, v17;
	v1 =	vsel vm9, v1, v16  }
0x397: {  	v22 =	vmul.f32 v39, v22;
	v16 =	vadd.f32 v60, v62;
	vm12 =	vle.f32 v17, v1  }
0x398: {  	v52 =	vmul.f32 v21, v21;
	v19 =	vadd.s32 $0xFFFFFF80, v55;
	v61 =	vsel vm12, v13, v2  }
0x399: {  	[tilespmem:v57+s14+$0x0] =	vst.idx.msk $0xffff, v19;
	v53 =	vsub.f32 v16, v22;
	v48 =	vadd.s32 $0xFFFFFFFF, v61;
	v49 =	vadd.s32 $0x1, v61  }
0x39a: {  	v15 =	vsub.f32 v15, v35;
	v32 =	vmul.f32 v21, v63;
	v63 =	vld.idx.msk [tilespmem:v58+s13+$0x0], $0xffff;
	v51 =	vsel vm12, v48, v49  }
0x39b: {  	v59 =	vadd.f32 v52, v34;
	v10 =	vsel vm10, v53, v10;
	v8 =	vsel vm10, v8, v53  }
0x39c: {  	v18 =	vsel vm15, v20, v18;
	v37 =	vsel vm14, v15, v37;
	vm13 =	vle.f32 v10, v8;
	v8 =	vld [tilespmem:$0x1FF80]  }
0x39d: {  	v15 =	vsel vm14, v33, v15;
	v50 =	vsub.f32 v59, v32;
	v59 =	vld [tilespmem:$0x1FFA0];
	v54 =	vadd.s32 $0xFFFFFF80, v61  }
0x39e: {  	v7 =	vsel vm10, v41, v7;
	vm3 =	vle.f32 v37, v15;
	v60 =	vor.u32 $0xF, v0;
	v0 =	vld [tilespmem:$0x1FFB0];
	[tilespmem:v47+s14+$0x0] =	vst.idx.msk $0xffff, v54  }
0x39f: {  	v52 =	vsel vm15, v50, v43;
	v9 =	vsel vm15, v9, v50;
	v55 =	vmul.f32 v63, v63;
	v16 =	vld.idx.msk [tilespmem:v51+s13+$0x0], $0xffff  }
0x3a0: {  	v6 =	vsel vm10, v6, v42;
	v14 =	vsel vm3, v14, v38;
	vm0 =	vle.f32 v52, v9  }
0x3a1: {  	v58 =	vld [tilespmem:$0x1FF90];
	v57 =	vmul.f32 v63, v24;
	v9 =	vadd.f32 v55, v23;
	v8 =	vor.u32 $0xF, v8  }
0x3a2: {  	v4 =	vsel vm11, v44, v4;
	v5 =	vsel vm11, v5, v46;
	v12 =	vsel vm0, v12, v18  }
0x3a3: {  	v10 =	vor.u32 $0xF, v59;
	v6 =	vsel vm13, v7, v6;
	v7 =	vsub.f32 v9, v57  }
0x3a4: {  	v2 =	vsel vm12, v2, v49;
	v0 =	vadd.s32 $0xFFFFFF80, v0;
	v61 =	vmul.f32 v16, v16  }
0x3a5: {  	v11 =	vsel vm11, v7, v11;
	v3 =	vsel vm11, v3, v7;
	v7 =	vor.u32 $0xF, v56  }
0x3a6: {  	v9 =	vor.u32 $0xF, v58;
	[tilespmem:v8+s14+$0x0] =	vst.idx.msk $0xffff, v0;
	v8 =	vmul.f32 v16, v28;
	v0 =	vadd.f32 v61, v27  }
0x3a7: {  	v63 =	vor.u32 $0xF, v31;
	vm14 =	vle.f32 v11, v3;
	v3 =	vadd.s32 $0xFFFFFF80, v30  }
0x3a8: {  	s16 =	sadd.s32 $0x8, s16;
	[tilespmem:v10+s14+$0x0] =	vst.idx.msk $0xffff, v3;
	v3 =	vadd.s32 $0xFFFFFF80, v14;
	v0 =	vsub.f32 v0, v8;
	v8 =	vor.u32 $0xF, v25  }
0x3a9: {  	p0 =	slt.u32 s16, $0x18;
	v4 =	vsel vm14, v4, v5;
	v5 =	vor.u32 $0xF, v26;
	[tilespmem:v60+s14+$0x0] =	vst.idx.msk $0xffff, v3;
	v3 =	vadd.s32 $0xFFFFFF80, v12  }
.Ltmp0:
0x3aa: {  	v62 =	vadd.s32 $0xFFFFFF80, v29;
	[tilespmem:v7+s14+$0x0] =	vst.idx.msk $0xffff, v3;
	v3 =	vsel vm12, v0, v17;
	v0 =	vsel vm12, v1, v0;
	(pc) =	sbr.rel @p0 .LBB2_2-.Ltmp0, $4  }
0x3ab: {  	[tilespmem:v9+s14+$0x0] =	vst.idx.msk $0xffff, v62;
	v1 =	vadd.s32 $0xFFFFFF80, v6;
	v6 =	vsel vm12, v48, v13;
	vm15 =	vle.f32 v3, v0  }
0x3ac: {  	[tilespmem:v63+s14+$0x0] =	vst.idx.msk $0xffff, v1;
	v0 =	vadd.s32 $0xFFFFFF80, v4;
	v1 =	vsel vm15, v6, v2  }
0x3ad: {  	[tilespmem:v8+s14+$0x0] =	vst.idx.msk $0xffff, v0;
	v0 =	vadd.s32 $0xFFFFFF80, v1  }
0x3ae: {  	s17 =	sadd.s32 $0x80, s17;
	v7 =	vimm.s32 $0x80;
	v2 =	vlaneseq.u32;
	v1 =	vimm.s32 $0x0;
	[tilespmem:v5+s14+$0x0] =	vst.idx.msk $0xffff, v0  }
0x3af: {  	s15 =	sadd.s32 $0x1, s15  }
0x3b0: {  	p0 =	sne.s32 s15, s8  }
.Ltmp1:
0x3b1: {  	_ = 	snop;
	(pc) =	sbr.rel @p0 .LBB2_1-.Ltmp1, $4  }
0x3b2: {  	[hbm4b:s7+s3] =	stream.linear.scatter [tilespmem:s14], [sflag:$0x1], $0x10000, $0x38;
	[tilespmem:$0x11380] =	vst v63  }
0x3b3: {  	_ =	swait.ge [sflag:s4], $0x10000  }
0x3b4: {  	[sflag:s4] =	ssyncset.done $0x0  }
0x3b5: {  	[sflag:s4] =	ssyncadd.s32 $0xFFFF0000  }
0x3b6: {  	_ =	sfence.sel $0x180000  }
0x3b7: {  	[bflag:$0x0] =	sbarrier.arrive $0xFFFF  }
0x3b8: {  	p0 =	sne.s32 s0, $0x0;
	_ =	strace $0x90000047  }
0x3b9: {  	s0 =	sadd.s32 @!p0 $0x100000, s1;
	[bflag:$0x2] =	sbarrier.arrive $0xFFFF  }
0x3ba: {  	[sflag:s0] =	ssyncadd.tile.s32 @!p0 $0x1;
	_ =	shalt  }
.Lfunc_end2:
_tile_overlayer_lowered:
.L_overlay_start_2:
0x3bb: {  	(tag) =	ssettag $0x2  }
0x3bc: {  	s0 =	rddreg [dreg:$0x0];
	s2 =	stileid.u32  }
0x3bd: {  	s1 =	rddreg [dreg:$0x1];
	p0 =	sne.s32 s2, $0x0  }
0x3be: {  	s3 =	rddreg [dreg:$0x2];
	[bflag:$0x3] =	sbarrier.arrive $0xFFFF;
	s2 =	simm.s32 @!p0 $0x1C01  }
0x3bf: {  	[timem:s3], [sflag:s2] =	dma.local @!p0 [hbm:s0], s1  }
0x3c0: {  	s0 =	simm.s32 @!p0 $0x1  }
0x3c1: {  	_ =	swait.ge @!p0 [sflag:s0], s1  }
0x3c2: {  	s1 =	ssub.s32 @!p0 $0x0, s1;
	[sflag:s0] =	ssyncset.done @!p0 $0x0  }
0x3c3: {  	[sflag:s0] =	ssyncadd.s32 @!p0 s1  }
0x3c4: {  	[bflag:$0x3] =	sbarrier.arrive $0xFFFF  }
0x3c5: {  	_ =	shalt  }

</sc_bundles>
